<compile_context>
chip_gen: v7x
topology: tpu7x:2x2x1
jax: 0.10.2.dev20260603
libtpu: 0.0.44.dev20260713+nightly
codegen_flags: <defaults>
</compile_context>

<pallas_src>
import functools

import jax
import jax.numpy as jnp
from jax import lax
from jax.experimental import pallas as pl
from jax.experimental.pallas import tpu as pltpu
from jax.experimental.pallas import tpu_sc as plsc

NB = 4096
L = 20
D = 512
NC, NS = 2, 16
NW = NC * NS
BPW = NB // NW
CB = 4
NCHUNK = BPW // CB


def _proj_body(emb_ref, w_ref, b_ref, out_ref):
    out_ref[...] = lax.dot_general(
        emb_ref[...], w_ref[...],
        (((1,), (1,)), ((), ())),
        preferred_element_type=jnp.float32,
    ) + b_ref[...]


def _project(emb, W, b2):
    return pl.pallas_call(
        _proj_body,
        out_shape=jax.ShapeDtypeStruct((emb.shape[0], W.shape[0]), jnp.float32),
    )(emb, W, b2)


def _make_gather():
    mesh = plsc.VectorSubcoreMesh(core_axis_name="c", subcore_axis_name="s")

    @functools.partial(
        pl.kernel, mesh=mesh,
        out_type=jax.ShapeDtypeStruct((NB // CB, CB * L, D), jnp.float32),
        scratch_types=(
            [pltpu.VMEM((BPW * L,), jnp.int32)]
            + [pltpu.VMEM((CB * L, D), jnp.float32)] * 2
            + [pltpu.SemaphoreType.DMA] * 4
        ),
    )
    def gather(table_hbm, idx_hbm, out_hbm, idx_v, rows0, rows1,
               gsem0, gsem1, osem0, osem1):
        rows = (rows0, rows1)
        gsem = (gsem0, gsem1)
        osem = (osem0, osem1)
        wid = lax.axis_index("s") * NC + lax.axis_index("c")
        base = wid * BPW
        pltpu.sync_copy(idx_hbm.at[pl.ds(base * L, BPW * L)], idx_v)

        def gdesc(c, b):
            return pltpu.make_async_copy(
                table_hbm.at[idx_v.at[pl.ds(c * CB * L, CB * L)]],
                rows[b], gsem[b])

        def odesc(c, b):
            return pltpu.make_async_copy(
                rows[b], out_hbm.at[base // CB + c], osem[b])

        gdesc(0, 0).start()

        def body(g, carry):
            for b in (0, 1):
                c = 2 * g + b
                gdesc(c, b).wait()

                @pl.when(c >= 1)
                def _():
                    odesc(c - 1, 1 - b).wait()

                odesc(c, b).start()

                @pl.when(c + 1 < NCHUNK)
                def _():
                    gdesc(c + 1, 1 - b).start()
            return carry

        lax.fori_loop(0, NCHUNK // 2, body, 0)
        odesc(NCHUNK - 1, 1).wait()

    return gather


_gather = _make_gather()


def kernel(x, emb_table, W, b):
    P = _project(emb_table, W, b.reshape(1, D))
    out = _gather(P, x.reshape(-1).astype(jnp.int32))
    return out.reshape(NB, L, D)

# --- scband reference (transcript-rebuilt; emitter-appended) ---
"""Pipeline reference for scband-my-model-61933428412840 (READ-ONLY COPY).

The authoritative reference and input builder live on the scoring server;
editing this copy changes nothing except your own understanding.
"""

import jax, jax.numpy as jnp
import numpy as np


def setup_inputs(seed: int = 0) -> dict:
    key = jax.random.key(seed)
    k1, k2, k3, k4 = jax.random.split(key, 4)
    x = jax.random.randint(k1, (4096, 20), 0, 100, dtype=jnp.int64)
    # nn.Embedding(100, 256) weight
    emb_table = jax.random.normal(k2, (100, 256), dtype=jnp.float32)
    # nn.Linear(256, 512): weight [512, 256], bias [512]
    bound = 1.0 / np.sqrt(256.0)
    W = jax.random.uniform(k3, (512, 256), dtype=jnp.float32, minval=-bound, maxval=bound)
    b = jax.random.uniform(k4, (512,), dtype=jnp.float32, minval=-bound, maxval=bound)
    return {"x": x, "emb_table": emb_table, "W": W, "b": b}


def reference(x, emb_table, W, b):
    # embedding lookup: gather rows of the table
    h = jnp.take(emb_table, x, axis=0)          # [4096, 20, 256]
    # linear: y = h @ W^T + b
    out = jnp.einsum('bld,od->blo', h, W) + b   # [4096, 20, 512]
    return out

if __name__ == "__main__":
    import jax
    _d = setup_inputs()
    print(jax.jit(kernel)(*tuple(_d.values())))

</pallas_src>

<mosaic_0001>
#map = affine_map<(d0, d1) -> (0, 0)>
#map1 = affine_map<(d0, d1) -> (0)>
#map2 = affine_map<(d0, d1) -> (0, 0, 0)>
module attributes {stable_mosaic.version = 14 : i64} {
  func.func @gather(%arg0: i32, %arg1: i32, %arg2: memref<100x512xf32, #tpu.memory_space<hbm>>, %arg3: memref<81920xi32, #tpu.memory_space<hbm>>, %arg4: memref<1024x80x512xf32, #tpu.memory_space<hbm>>, %arg5: memref<2560xi32, #tpu.memory_space<vmem>>, %arg6: memref<80x512xf32, #tpu.memory_space<vmem>>, %arg7: memref<80x512xf32, #tpu.memory_space<vmem>>, %arg8: memref<!tpu.dma_semaphore, #tpu.memory_space<semaphore_mem>>, %arg9: memref<!tpu.dma_semaphore, #tpu.memory_space<semaphore_mem>>, %arg10: memref<!tpu.dma_semaphore, #tpu.memory_space<semaphore_mem>>, %arg11: memref<!tpu.dma_semaphore, #tpu.memory_space<semaphore_mem>>) attributes {dimension_semantics = [#tpu.dimension_semantics<core_parallel>, #tpu.dimension_semantics<subcore_parallel>], iteration_bounds = array<i64: 2, 16>, scalar_prefetch = 0 : i64, scratch_operands = 7 : i64, tpu.core_type = #tpu.core_type<sc_vector_subcore>, window_params = [{transform_indices = #map}, {transform_indices = #map1}, {transform_indices = #map2}]} {
    %mul3A = arith.constant 2 : i32
    %mul3A_0 = arith.muli %arg1, %mul3A : i32
    %add3A = arith.addi %mul3A_0, %arg0 : i32
    %mul3A_1 = arith.constant 128 : i32
    %mul3A_2 = arith.muli %add3A, %mul3A_1 : i32
    %mul3A_3 = arith.constant 20 : i32
    %mul3A_4 = arith.muli %mul3A_2, %mul3A_3 : i32
    "tpu.region"() ({
      %run_scoped3A = tpu.sem_alloc : memref<!tpu.dma_semaphore, #tpu.memory_space<semaphore_mem>>
      %dma_start3A_39 = tpu.memref_slice %arg3[%mul3A_4] : memref<81920xi32, #tpu.memory_space<hbm>> -> memref<2560xi32, #tpu.memory_space<hbm>>
      %dma_start3A_40 = tpu.memref_slice %arg3[%mul3A_4] : memref<81920xi32, #tpu.memory_space<hbm>> -> memref<2560xi32, #tpu.memory_space<hbm>>
      tpu.enqueue_dma source(%dma_start3A_40 : memref<2560xi32, #tpu.memory_space<hbm>>) target(%arg5 : memref<2560xi32, #tpu.memory_space<vmem>>) target_semaphore(%run_scoped3A : memref<!tpu.dma_semaphore, #tpu.memory_space<semaphore_mem>>)
      %dma_wait3A_41 = tpu.memref_slice %arg3[%mul3A_4] : memref<81920xi32, #tpu.memory_space<hbm>> -> memref<2560xi32, #tpu.memory_space<hbm>>
      %dma_wait3A_42 = tpu.memref_slice %arg3[%mul3A_4] : memref<81920xi32, #tpu.memory_space<hbm>> -> memref<2560xi32, #tpu.memory_space<hbm>>
      tpu.wait_dma2 semaphore(%run_scoped3A : memref<!tpu.dma_semaphore, #tpu.memory_space<semaphore_mem>>) src(%dma_wait3A_42 : memref<2560xi32, #tpu.memory_space<hbm>>) dst(%arg5 : memref<2560xi32, #tpu.memory_space<vmem>>)
      tpu.yield
    }) : () -> ()
    %dma_start3A = arith.constant 0 : i32
    %dma_start3A_5 = tpu.memref_slice %arg5[%dma_start3A] : memref<2560xi32, #tpu.memory_space<vmem>> -> memref<80xi32, #tpu.memory_space<vmem>>
    %dma_start3A_6 = arith.constant 0 : i32
    %dma_start3A_7 = arith.constant 0 : i32
    %dma_start3A_8 = tpu.memref_slice %arg2[%dma_start3A_6, %dma_start3A_7] : memref<100x512xf32, #tpu.memory_space<hbm>> -> memref<100x512xf32, #tpu.memory_space<hbm>>
    tpu.enqueue_indirect_dma source(%dma_start3A_8 : memref<100x512xf32, #tpu.memory_space<hbm>>) target(%arg6 : memref<80x512xf32, #tpu.memory_space<vmem>>) offsets(%dma_start3A_5 : memref<80xi32, #tpu.memory_space<vmem>>) semaphore(%arg8 : memref<!tpu.dma_semaphore, #tpu.memory_space<semaphore_mem>>)
    %scan3A = arith.constant 0 : i32
    %scan3A_9 = arith.constant 0 : i32
    %scan3A_10 = arith.constant 16 : i32
    %scan3A_11 = arith.addi %scan3A_9, %scan3A_10 : i32
    %scan3A_12 = arith.constant 1 : i32
    scf.for %scan3A_39 = %scan3A_9 to %scan3A_11 step %scan3A_12  : i32 {
      %mul3A_40 = arith.constant 2 : i32
      %mul3A_41 = arith.muli %mul3A_40, %scan3A_39 : i32
      %add3A_42 = arith.constant 0 : i32
      %add3A_43 = arith.addi %mul3A_41, %add3A_42 : i32
      %mul3A_44 = arith.constant 4 : i32
      %mul3A_45 = arith.muli %add3A_43, %mul3A_44 : i32
      %mul3A_46 = arith.constant 20 : i32
      %mul3A_47 = arith.muli %mul3A_45, %mul3A_46 : i32
      %dma_wait3A_48 = tpu.memref_slice %arg5[%mul3A_47] : memref<2560xi32, #tpu.memory_space<vmem>> -> memref<80xi32, #tpu.memory_space<vmem>>
      %dma_wait3A_49 = arith.constant 0 : i32
      %dma_wait3A_50 = arith.constant 0 : i32
      %dma_wait3A_51 = tpu.memref_slice %arg2[%dma_wait3A_49, %dma_wait3A_50] : memref<100x512xf32, #tpu.memory_space<hbm>> -> memref<100x512xf32, #tpu.memory_space<hbm>>
      tpu.wait_indirect_dma semaphore(%arg8 : memref<!tpu.dma_semaphore, #tpu.memory_space<semaphore_mem>>) src(%dma_wait3A_51 : memref<100x512xf32, #tpu.memory_space<hbm>>) dst(%arg6 : memref<80x512xf32, #tpu.memory_space<vmem>>)
      %ge3A = arith.constant 1 : i32
      %ge3A_52 = arith.cmpi sge, %add3A_43, %ge3A : i32
      %convert_element_type3A = arith.extui %ge3A_52 : i1 to i32
      %cond3A = arith.constant 0 : i32
      %cond3A_53 = arith.cmpi ne, %convert_element_type3A, %cond3A : i32
      scf.if %cond3A_53 {
        %sub3A_150 = arith.constant 1 : i32
        %sub3A_151 = arith.subi %add3A_43, %sub3A_150 : i32
        %jit3A_152 = arith.constant 4 : i32
        %div3A_153 = arith.divsi %mul3A_2, %jit3A_152 : i32
        %sign3A_154 = arith.constant 0 : i32
        %sign3A_155 = arith.cmpi sgt, %mul3A_2, %sign3A_154 : i32
        %sign3A_156 = arith.extui %sign3A_155 : i1 to i32
        %sign3A_157 = arith.constant 0 : i32
        %sign3A_158 = arith.cmpi slt, %mul3A_2, %sign3A_157 : i32
        %sign3A_159 = arith.extui %sign3A_158 : i1 to i32
        %sign3A_160 = arith.subi %sign3A_156, %sign3A_159 : i32
        %sign3A_161 = arith.constant 0 : i32
        %sign3A_162 = arith.cmpi sgt, %jit3A_152, %sign3A_161 : i32
        %sign3A_163 = arith.extui %sign3A_162 : i1 to i32
        %sign3A_164 = arith.constant 0 : i32
        %sign3A_165 = arith.cmpi slt, %jit3A_152, %sign3A_164 : i32
        %sign3A_166 = arith.extui %sign3A_165 : i1 to i32
        %sign3A_167 = arith.subi %sign3A_163, %sign3A_166 : i32
        %ne3A_168 = arith.cmpi ne, %sign3A_160, %sign3A_167 : i32
        %rem3A_169 = arith.remsi %mul3A_2, %jit3A_152 : i32
        %ne3A_170 = arith.constant 0 : i32
        %ne3A_171 = arith.cmpi ne, %rem3A_169, %ne3A_170 : i32
        %and3A_172 = arith.andi %ne3A_168, %ne3A_171 : i1
        %sub3A_173 = arith.constant 1 : i32
        %sub3A_174 = arith.subi %div3A_153, %sub3A_173 : i32
        %select_n3A_175 = arith.select %and3A_172, %sub3A_174, %div3A_153 : i32
        %add3A_176 = arith.addi %select_n3A_175, %sub3A_151 : i32
        %dma_wait3A_177 = arith.constant 0 : i32
        %dma_wait3A_178 = arith.constant 0 : i32
        %dma_wait3A_179 = tpu.memref_slice %arg4[%add3A_176, %dma_wait3A_177, %dma_wait3A_178] : memref<1024x80x512xf32, #tpu.memory_space<hbm>> -> memref<1x80x512xf32, #tpu.memory_space<hbm>>
        %dma_wait3A_180 = tpu.memref_squeeze %dma_wait3A_179 : memref<1x80x512xf32, #tpu.memory_space<hbm>> -> memref<80x512xf32, #tpu.memory_space<hbm>>
        %dma_wait3A_181 = arith.constant 0 : i32
        %dma_wait3A_182 = arith.constant 0 : i32
        %dma_wait3A_183 = tpu.memref_slice %arg4[%add3A_176, %dma_wait3A_181, %dma_wait3A_182] : memref<1024x80x512xf32, #tpu.memory_space<hbm>> -> memref<1x80x512xf32, #tpu.memory_space<hbm>>
        %dma_wait3A_184 = tpu.memref_squeeze %dma_wait3A_183 : memref<1x80x512xf32, #tpu.memory_space<hbm>> -> memref<80x512xf32, #tpu.memory_space<hbm>>
        tpu.wait_dma2 semaphore(%arg11 : memref<!tpu.dma_semaphore, #tpu.memory_space<semaphore_mem>>) src(%arg7 : memref<80x512xf32, #tpu.memory_space<vmem>>) dst(%dma_wait3A_184 : memref<80x512xf32, #tpu.memory_space<hbm>>)
      } else {
      }
      %jit3A_54 = arith.constant 4 : i32
      %div3A_55 = arith.divsi %mul3A_2, %jit3A_54 : i32
      %sign3A_56 = arith.constant 0 : i32
      %sign3A_57 = arith.cmpi sgt, %mul3A_2, %sign3A_56 : i32
      %sign3A_58 = arith.extui %sign3A_57 : i1 to i32
      %sign3A_59 = arith.constant 0 : i32
      %sign3A_60 = arith.cmpi slt, %mul3A_2, %sign3A_59 : i32
      %sign3A_61 = arith.extui %sign3A_60 : i1 to i32
      %sign3A_62 = arith.subi %sign3A_58, %sign3A_61 : i32
      %sign3A_63 = arith.constant 0 : i32
      %sign3A_64 = arith.cmpi sgt, %jit3A_54, %sign3A_63 : i32
      %sign3A_65 = arith.extui %sign3A_64 : i1 to i32
      %sign3A_66 = arith.constant 0 : i32
      %sign3A_67 = arith.cmpi slt, %jit3A_54, %sign3A_66 : i32
      %sign3A_68 = arith.extui %sign3A_67 : i1 to i32
      %sign3A_69 = arith.subi %sign3A_65, %sign3A_68 : i32
      %ne3A_70 = arith.cmpi ne, %sign3A_62, %sign3A_69 : i32
      %rem3A_71 = arith.remsi %mul3A_2, %jit3A_54 : i32
      %ne3A_72 = arith.constant 0 : i32
      %ne3A_73 = arith.cmpi ne, %rem3A_71, %ne3A_72 : i32
      %and3A_74 = arith.andi %ne3A_70, %ne3A_73 : i1
      %sub3A_75 = arith.constant 1 : i32
      %sub3A_76 = arith.subi %div3A_55, %sub3A_75 : i32
      %select_n3A_77 = arith.select %and3A_74, %sub3A_76, %div3A_55 : i32
      %add3A_78 = arith.addi %select_n3A_77, %add3A_43 : i32
      %dma_start3A_79 = arith.constant 0 : i32
      %dma_start3A_80 = arith.constant 0 : i32
      %dma_start3A_81 = tpu.memref_slice %arg4[%add3A_78, %dma_start3A_79, %dma_start3A_80] : memref<1024x80x512xf32, #tpu.memory_space<hbm>> -> memref<1x80x512xf32, #tpu.memory_space<hbm>>
      %dma_start3A_82 = tpu.memref_squeeze %dma_start3A_81 : memref<1x80x512xf32, #tpu.memory_space<hbm>> -> memref<80x512xf32, #tpu.memory_space<hbm>>
      %dma_start3A_83 = arith.constant 0 : i32
      %dma_start3A_84 = arith.constant 0 : i32
      %dma_start3A_85 = tpu.memref_slice %arg4[%add3A_78, %dma_start3A_83, %dma_start3A_84] : memref<1024x80x512xf32, #tpu.memory_space<hbm>> -> memref<1x80x512xf32, #tpu.memory_space<hbm>>
      %dma_start3A_86 = tpu.memref_squeeze %dma_start3A_85 : memref<1x80x512xf32, #tpu.memory_space<hbm>> -> memref<80x512xf32, #tpu.memory_space<hbm>>
      tpu.enqueue_dma source(%arg6 : memref<80x512xf32, #tpu.memory_space<vmem>>) target(%dma_start3A_86 : memref<80x512xf32, #tpu.memory_space<hbm>>) target_semaphore(%arg10 : memref<!tpu.dma_semaphore, #tpu.memory_space<semaphore_mem>>)
      %add3A_87 = arith.constant 1 : i32
      %add3A_88 = arith.addi %add3A_43, %add3A_87 : i32
      %lt3A = arith.constant 32 : i32
      %lt3A_89 = arith.cmpi slt, %add3A_88, %lt3A : i32
      %convert_element_type3A_90 = arith.extui %lt3A_89 : i1 to i32
      %cond3A_91 = arith.constant 0 : i32
      %cond3A_92 = arith.cmpi ne, %convert_element_type3A_90, %cond3A_91 : i32
      scf.if %cond3A_92 {
        %add3A_150 = arith.constant 1 : i32
        %add3A_151 = arith.addi %add3A_43, %add3A_150 : i32
        %mul3A_152 = arith.constant 4 : i32
        %mul3A_153 = arith.muli %add3A_151, %mul3A_152 : i32
        %mul3A_154 = arith.constant 20 : i32
        %mul3A_155 = arith.muli %mul3A_153, %mul3A_154 : i32
        %dma_start3A_156 = tpu.memref_slice %arg5[%mul3A_155] : memref<2560xi32, #tpu.memory_space<vmem>> -> memref<80xi32, #tpu.memory_space<vmem>>
        %dma_start3A_157 = arith.constant 0 : i32
        %dma_start3A_158 = arith.constant 0 : i32
        %dma_start3A_159 = tpu.memref_slice %arg2[%dma_start3A_157, %dma_start3A_158] : memref<100x512xf32, #tpu.memory_space<hbm>> -> memref<100x512xf32, #tpu.memory_space<hbm>>
        tpu.enqueue_indirect_dma source(%dma_start3A_159 : memref<100x512xf32, #tpu.memory_space<hbm>>) target(%arg7 : memref<80x512xf32, #tpu.memory_space<vmem>>) offsets(%dma_start3A_156 : memref<80xi32, #tpu.memory_space<vmem>>) semaphore(%arg9 : memref<!tpu.dma_semaphore, #tpu.memory_space<semaphore_mem>>)
      } else {
      }
      %mul3A_93 = arith.constant 2 : i32
      %mul3A_94 = arith.muli %mul3A_93, %scan3A_39 : i32
      %add3A_95 = arith.constant 1 : i32
      %add3A_96 = arith.addi %mul3A_94, %add3A_95 : i32
      %mul3A_97 = arith.constant 4 : i32
      %mul3A_98 = arith.muli %add3A_96, %mul3A_97 : i32
      %mul3A_99 = arith.constant 20 : i32
      %mul3A_100 = arith.muli %mul3A_98, %mul3A_99 : i32
      %dma_wait3A_101 = tpu.memref_slice %arg5[%mul3A_100] : memref<2560xi32, #tpu.memory_space<vmem>> -> memref<80xi32, #tpu.memory_space<vmem>>
      %dma_wait3A_102 = arith.constant 0 : i32
      %dma_wait3A_103 = arith.constant 0 : i32
      %dma_wait3A_104 = tpu.memref_slice %arg2[%dma_wait3A_102, %dma_wait3A_103] : memref<100x512xf32, #tpu.memory_space<hbm>> -> memref<100x512xf32, #tpu.memory_space<hbm>>
      tpu.wait_indirect_dma semaphore(%arg9 : memref<!tpu.dma_semaphore, #tpu.memory_space<semaphore_mem>>) src(%dma_wait3A_104 : memref<100x512xf32, #tpu.memory_space<hbm>>) dst(%arg7 : memref<80x512xf32, #tpu.memory_space<vmem>>)
      %ge3A_105 = arith.constant 1 : i32
      %ge3A_106 = arith.cmpi sge, %add3A_96, %ge3A_105 : i32
      %convert_element_type3A_107 = arith.extui %ge3A_106 : i1 to i32
      %cond3A_108 = arith.constant 0 : i32
      %cond3A_109 = arith.cmpi ne, %convert_element_type3A_107, %cond3A_108 : i32
      scf.if %cond3A_109 {
        %sub3A_150 = arith.constant 1 : i32
        %sub3A_151 = arith.subi %add3A_96, %sub3A_150 : i32
        %jit3A_152 = arith.constant 4 : i32
        %div3A_153 = arith.divsi %mul3A_2, %jit3A_152 : i32
        %sign3A_154 = arith.constant 0 : i32
        %sign3A_155 = arith.cmpi sgt, %mul3A_2, %sign3A_154 : i32
        %sign3A_156 = arith.extui %sign3A_155 : i1 to i32
        %sign3A_157 = arith.constant 0 : i32
        %sign3A_158 = arith.cmpi slt, %mul3A_2, %sign3A_157 : i32
        %sign3A_159 = arith.extui %sign3A_158 : i1 to i32
        %sign3A_160 = arith.subi %sign3A_156, %sign3A_159 : i32
        %sign3A_161 = arith.constant 0 : i32
        %sign3A_162 = arith.cmpi sgt, %jit3A_152, %sign3A_161 : i32
        %sign3A_163 = arith.extui %sign3A_162 : i1 to i32
        %sign3A_164 = arith.constant 0 : i32
        %sign3A_165 = arith.cmpi slt, %jit3A_152, %sign3A_164 : i32
        %sign3A_166 = arith.extui %sign3A_165 : i1 to i32
        %sign3A_167 = arith.subi %sign3A_163, %sign3A_166 : i32
        %ne3A_168 = arith.cmpi ne, %sign3A_160, %sign3A_167 : i32
        %rem3A_169 = arith.remsi %mul3A_2, %jit3A_152 : i32
        %ne3A_170 = arith.constant 0 : i32
        %ne3A_171 = arith.cmpi ne, %rem3A_169, %ne3A_170 : i32
        %and3A_172 = arith.andi %ne3A_168, %ne3A_171 : i1
        %sub3A_173 = arith.constant 1 : i32
        %sub3A_174 = arith.subi %div3A_153, %sub3A_173 : i32
        %select_n3A_175 = arith.select %and3A_172, %sub3A_174, %div3A_153 : i32
        %add3A_176 = arith.addi %select_n3A_175, %sub3A_151 : i32
        %dma_wait3A_177 = arith.constant 0 : i32
        %dma_wait3A_178 = arith.constant 0 : i32
        %dma_wait3A_179 = tpu.memref_slice %arg4[%add3A_176, %dma_wait3A_177, %dma_wait3A_178] : memref<1024x80x512xf32, #tpu.memory_space<hbm>> -> memref<1x80x512xf32, #tpu.memory_space<hbm>>
        %dma_wait3A_180 = tpu.memref_squeeze %dma_wait3A_179 : memref<1x80x512xf32, #tpu.memory_space<hbm>> -> memref<80x512xf32, #tpu.memory_space<hbm>>
        %dma_wait3A_181 = arith.constant 0 : i32
        %dma_wait3A_182 = arith.constant 0 : i32
        %dma_wait3A_183 = tpu.memref_slice %arg4[%add3A_176, %dma_wait3A_181, %dma_wait3A_182] : memref<1024x80x512xf32, #tpu.memory_space<hbm>> -> memref<1x80x512xf32, #tpu.memory_space<hbm>>
        %dma_wait3A_184 = tpu.memref_squeeze %dma_wait3A_183 : memref<1x80x512xf32, #tpu.memory_space<hbm>> -> memref<80x512xf32, #tpu.memory_space<hbm>>
        tpu.wait_dma2 semaphore(%arg10 : memref<!tpu.dma_semaphore, #tpu.memory_space<semaphore_mem>>) src(%arg6 : memref<80x512xf32, #tpu.memory_space<vmem>>) dst(%dma_wait3A_184 : memref<80x512xf32, #tpu.memory_space<hbm>>)
      } else {
      }
      %jit3A_110 = arith.constant 4 : i32
      %div3A_111 = arith.divsi %mul3A_2, %jit3A_110 : i32
      %sign3A_112 = arith.constant 0 : i32
      %sign3A_113 = arith.cmpi sgt, %mul3A_2, %sign3A_112 : i32
      %sign3A_114 = arith.extui %sign3A_113 : i1 to i32
      %sign3A_115 = arith.constant 0 : i32
      %sign3A_116 = arith.cmpi slt, %mul3A_2, %sign3A_115 : i32
      %sign3A_117 = arith.extui %sign3A_116 : i1 to i32
      %sign3A_118 = arith.subi %sign3A_114, %sign3A_117 : i32
      %sign3A_119 = arith.constant 0 : i32
      %sign3A_120 = arith.cmpi sgt, %jit3A_110, %sign3A_119 : i32
      %sign3A_121 = arith.extui %sign3A_120 : i1 to i32
      %sign3A_122 = arith.constant 0 : i32
      %sign3A_123 = arith.cmpi slt, %jit3A_110, %sign3A_122 : i32
      %sign3A_124 = arith.extui %sign3A_123 : i1 to i32
      %sign3A_125 = arith.subi %sign3A_121, %sign3A_124 : i32
      %ne3A_126 = arith.cmpi ne, %sign3A_118, %sign3A_125 : i32
      %rem3A_127 = arith.remsi %mul3A_2, %jit3A_110 : i32
      %ne3A_128 = arith.constant 0 : i32
      %ne3A_129 = arith.cmpi ne, %rem3A_127, %ne3A_128 : i32
      %and3A_130 = arith.andi %ne3A_126, %ne3A_129 : i1
      %sub3A_131 = arith.constant 1 : i32
      %sub3A_132 = arith.subi %div3A_111, %sub3A_131 : i32
      %select_n3A_133 = arith.select %and3A_130, %sub3A_132, %div3A_111 : i32
      %add3A_134 = arith.addi %select_n3A_133, %add3A_96 : i32
      %dma_start3A_135 = arith.constant 0 : i32
      %dma_start3A_136 = arith.constant 0 : i32
      %dma_start3A_137 = tpu.memref_slice %arg4[%add3A_134, %dma_start3A_135, %dma_start3A_136] : memref<1024x80x512xf32, #tpu.memory_space<hbm>> -> memref<1x80x512xf32, #tpu.memory_space<hbm>>
      %dma_start3A_138 = tpu.memref_squeeze %dma_start3A_137 : memref<1x80x512xf32, #tpu.memory_space<hbm>> -> memref<80x512xf32, #tpu.memory_space<hbm>>
      %dma_start3A_139 = arith.constant 0 : i32
      %dma_start3A_140 = arith.constant 0 : i32
      %dma_start3A_141 = tpu.memref_slice %arg4[%add3A_134, %dma_start3A_139, %dma_start3A_140] : memref<1024x80x512xf32, #tpu.memory_space<hbm>> -> memref<1x80x512xf32, #tpu.memory_space<hbm>>
      %dma_start3A_142 = tpu.memref_squeeze %dma_start3A_141 : memref<1x80x512xf32, #tpu.memory_space<hbm>> -> memref<80x512xf32, #tpu.memory_space<hbm>>
      tpu.enqueue_dma source(%arg7 : memref<80x512xf32, #tpu.memory_space<vmem>>) target(%dma_start3A_142 : memref<80x512xf32, #tpu.memory_space<hbm>>) target_semaphore(%arg11 : memref<!tpu.dma_semaphore, #tpu.memory_space<semaphore_mem>>)
      %add3A_143 = arith.constant 1 : i32
      %add3A_144 = arith.addi %add3A_96, %add3A_143 : i32
      %lt3A_145 = arith.constant 32 : i32
      %lt3A_146 = arith.cmpi slt, %add3A_144, %lt3A_145 : i32
      %convert_element_type3A_147 = arith.extui %lt3A_146 : i1 to i32
      %cond3A_148 = arith.constant 0 : i32
      %cond3A_149 = arith.cmpi ne, %convert_element_type3A_147, %cond3A_148 : i32
      scf.if %cond3A_149 {
        %add3A_150 = arith.constant 1 : i32
        %add3A_151 = arith.addi %add3A_96, %add3A_150 : i32
        %mul3A_152 = arith.constant 4 : i32
        %mul3A_153 = arith.muli %add3A_151, %mul3A_152 : i32
        %mul3A_154 = arith.constant 20 : i32
        %mul3A_155 = arith.muli %mul3A_153, %mul3A_154 : i32
        %dma_start3A_156 = tpu.memref_slice %arg5[%mul3A_155] : memref<2560xi32, #tpu.memory_space<vmem>> -> memref<80xi32, #tpu.memory_space<vmem>>
        %dma_start3A_157 = arith.constant 0 : i32
        %dma_start3A_158 = arith.constant 0 : i32
        %dma_start3A_159 = tpu.memref_slice %arg2[%dma_start3A_157, %dma_start3A_158] : memref<100x512xf32, #tpu.memory_space<hbm>> -> memref<100x512xf32, #tpu.memory_space<hbm>>
        tpu.enqueue_indirect_dma source(%dma_start3A_159 : memref<100x512xf32, #tpu.memory_space<hbm>>) target(%arg6 : memref<80x512xf32, #tpu.memory_space<vmem>>) offsets(%dma_start3A_156 : memref<80xi32, #tpu.memory_space<vmem>>) semaphore(%arg8 : memref<!tpu.dma_semaphore, #tpu.memory_space<semaphore_mem>>)
      } else {
      }
    }
    %scan3A_13 = arith.constant 16 : i32
    %jit3A = arith.constant 4 : i32
    %div3A = arith.divsi %mul3A_2, %jit3A : i32
    %sign3A = arith.constant 0 : i32
    %sign3A_14 = arith.cmpi sgt, %mul3A_2, %sign3A : i32
    %sign3A_15 = arith.extui %sign3A_14 : i1 to i32
    %sign3A_16 = arith.constant 0 : i32
    %sign3A_17 = arith.cmpi slt, %mul3A_2, %sign3A_16 : i32
    %sign3A_18 = arith.extui %sign3A_17 : i1 to i32
    %sign3A_19 = arith.subi %sign3A_15, %sign3A_18 : i32
    %sign3A_20 = arith.constant 0 : i32
    %sign3A_21 = arith.cmpi sgt, %jit3A, %sign3A_20 : i32
    %sign3A_22 = arith.extui %sign3A_21 : i1 to i32
    %sign3A_23 = arith.constant 0 : i32
    %sign3A_24 = arith.cmpi slt, %jit3A, %sign3A_23 : i32
    %sign3A_25 = arith.extui %sign3A_24 : i1 to i32
    %sign3A_26 = arith.subi %sign3A_22, %sign3A_25 : i32
    %ne3A = arith.cmpi ne, %sign3A_19, %sign3A_26 : i32
    %rem3A = arith.remsi %mul3A_2, %jit3A : i32
    %ne3A_27 = arith.constant 0 : i32
    %ne3A_28 = arith.cmpi ne, %rem3A, %ne3A_27 : i32
    %and3A = arith.andi %ne3A, %ne3A_28 : i1
    %sub3A = arith.constant 1 : i32
    %sub3A_29 = arith.subi %div3A, %sub3A : i32
    %select_n3A = arith.select %and3A, %sub3A_29, %div3A : i32
    %add3A_30 = arith.constant 31 : i32
    %add3A_31 = arith.addi %select_n3A, %add3A_30 : i32
    %dma_wait3A = arith.constant 0 : i32
    %dma_wait3A_32 = arith.constant 0 : i32
    %dma_wait3A_33 = tpu.memref_slice %arg4[%add3A_31, %dma_wait3A, %dma_wait3A_32] : memref<1024x80x512xf32, #tpu.memory_space<hbm>> -> memref<1x80x512xf32, #tpu.memory_space<hbm>>
    %dma_wait3A_34 = tpu.memref_squeeze %dma_wait3A_33 : memref<1x80x512xf32, #tpu.memory_space<hbm>> -> memref<80x512xf32, #tpu.memory_space<hbm>>
    %dma_wait3A_35 = arith.constant 0 : i32
    %dma_wait3A_36 = arith.constant 0 : i32
    %dma_wait3A_37 = tpu.memref_slice %arg4[%add3A_31, %dma_wait3A_35, %dma_wait3A_36] : memref<1024x80x512xf32, #tpu.memory_space<hbm>> -> memref<1x80x512xf32, #tpu.memory_space<hbm>>
    %dma_wait3A_38 = tpu.memref_squeeze %dma_wait3A_37 : memref<1x80x512xf32, #tpu.memory_space<hbm>> -> memref<80x512xf32, #tpu.memory_space<hbm>>
    tpu.wait_dma2 semaphore(%arg11 : memref<!tpu.dma_semaphore, #tpu.memory_space<semaphore_mem>>) src(%arg7 : memref<80x512xf32, #tpu.memory_space<vmem>>) dst(%dma_wait3A_38 : memref<80x512xf32, #tpu.memory_space<hbm>>)
    return
  }
}

module attributes {stable_mosaic.version = 14 : i64} {
  func.func @_proj_body(%arg0: memref<100x256xf32, #tpu.memory_space<vmem>>, %arg1: memref<512x256xf32, #tpu.memory_space<vmem>>, %arg2: memref<1x512xf32, #tpu.memory_space<vmem>>, %arg3: memref<100x512xf32, #tpu.memory_space<vmem>>) attributes {dimension_semantics = [], scalar_prefetch = 0 : i64, scratch_operands = 0 : i64, tpu.core_type = #tpu.core_type<tc>} {
    %get3A = arith.constant 0 : index
    %get3A_0 = arith.constant 0 : index
    %get3A_1 = vector.load %arg0[%get3A, %get3A_0] : memref<100x256xf32, #tpu.memory_space<vmem>>, vector<100x256xf32>
    %get3A_2 = arith.constant 0 : index
    %get3A_3 = arith.constant 0 : index
    %get3A_4 = vector.load %arg1[%get3A_2, %get3A_3] : memref<512x256xf32, #tpu.memory_space<vmem>>, vector<512x256xf32>
    %dot_general3A = arith.constant dense<0.000000e+00> : vector<100x512xf32>
    %dot_general3A_5 = tpu.matmul %get3A_1, %get3A_4, %dot_general3A {dimension_numbers = #tpu.dot_dimension_numbers<[1], [1], [0], [0], [0, 0, 1, 0], [], []>, transpose_lhs_hint = false} : vector<100x256xf32>, vector<512x256xf32>, vector<100x512xf32> -> vector<100x512xf32>
    %get3A_6 = arith.constant 0 : index
    %get3A_7 = arith.constant 0 : index
    %get3A_8 = vector.load %arg2[%get3A_6, %get3A_7] : memref<1x512xf32, #tpu.memory_space<vmem>>, vector<1x512xf32>
    %add3A = vector.broadcast %get3A_8 : vector<1x512xf32> to vector<100x512xf32>
    %add3A_9 = arith.addf %dot_general3A_5, %add3A : vector<100x512xf32>
    %swap3A = arith.constant 0 : index
    %swap3A_10 = arith.constant 0 : index
    %swap3A_11 = vector.load %arg3[%swap3A, %swap3A_10] : memref<100x512xf32, #tpu.memory_space<vmem>>, vector<100x512xf32>
    tpu.vector_store %arg3[%swap3A, %swap3A_10], %add3A_9 {strides = array<i32>} : memref<100x512xf32, #tpu.memory_space<vmem>>, vector<100x512xf32>,
    return
  }
}

</mosaic_0001>

<sc_bundles>
// kernel: kernel.4.cloned.1.call-start
scs
__scs_entry_jumppad:
0x0: {  	(pc) =	sbr.rel $0x88, $3  }
0x1: {  	(tag) =	ssettag $0x0;
	lr =	simm.s32 $0x1  }
0x2: {  	[smem:$0x3F9D] =	sst lr;
	_ =	strace $0xD0000000  }
0x3: {  	_ = 	snop  }
0x4: {  	_ = 	snop  }
0x5: {  	_ = 	snop  }
0x6: {  	_ = 	snop  }
0x7: {  	_ = 	snop  }
__scs_overlays_trampoline_lowered:
0x8: {  	[smem:$0x3FAC] =	sst s0  }
0x9: {  	[smem:$0x3FAD] =	sst s1  }
0xa: {  	[smem:$0x3FAE] =	sst s2  }
0xb: {  	[smem:$0x3FAF] =	sst s3  }
0xc: {  	[smem:$0x3FB0] =	sst s4  }
0xd: {  	[smem:$0x3FB1] =	sst s5  }
0xe: {  	[smem:$0x3FB2] =	sst s6  }
0xf: {  	[smem:$0x3FB3] =	sst s7  }
0x10: {  	[smem:$0x3FB4] =	sst s8  }
0x11: {  	[smem:$0x3FB5] =	sst s9;
	s0 =	simm.s32 @!p0 $0x0  }
0x12: {  	s1 =	sld [smem:$0x3F9B];
	s0 =	simm.s32 @p0 $0x1  }
0x13: {  	[smem:$0x3FB6] =	sst s0;
	s0 =	simm.s32 @!p1 $0x0  }
0x14: {  	s2 =	sld [smem:$0x3F9A];
	s0 =	simm.s32 @p1 $0x1  }
0x15: {  	[smem:$0x3FB7] =	sst s0;
	s0 =	simm.s32 @!p2 $0x0  }
0x16: {  	s3 =	sld [smem:$0x3FDB];
	s0 =	simm.s32 @p2 $0x1  }
0x17: {  	s4 =	simm.s32 $0x1BF5;
	[smem:$0x3FB9] =	sst s0  }
0x18: {  	s0 =	sld [smem:$0x3F9C];
	_ =	swait.ge [sflag:s4], $0x0  }
0x19: {  	s7 =	sld [smem:$0x3F9D]  }
0x1a: {  	s8 =	sadd.s32 $0xFFFFE003, lr  }
0x1b: {  	s9 =	sadd.s32 $0xFFFFFEF7, lr;
	s5 =	simm.s32 $0xFFFFFFFF;
	p2 =	slt.u32 s8, $0xFFFFF086  }
0x1c: {  	p1 =	slt.u32 s9, $0xF7A;
	s5 =	simm.s32 @!p2 $0x0  }
0x1d: {  	s5 =	simm.s32 @p1 $0x1;
	p0 =	seq.s32 s7, s2  }
0x1e: {  	s7 =	smul.u32 @!p0 $0xF7A, s2;
	p2 =	seq.s32 @!p0 s5, $0x0  }
0x1f: {  	s9 =	smul.u32 $0xF7A, s1;
	s8 =	simm.s32 @!p0 $0x1BF5;
	p2 =	por !p2, p0  }
0x20: {  	[sflag:s8] =	ssyncset.s32 @!p0 $0xFFFFF086;
	s6 =	sadd.s32 @!p0 s3, s7;
	s7 =	simm.s32 @!p0 $0x108  }
0x21: {  	s3 =	sadd.s32 s3, s9;
	s6 =	sadd.s32 @!p0 $0x88, s6;
	s7 =	simm.s32 @p2 $0x1082  }
0x22: {  	[simem:s7], [sflag:s8] =	dma.local @!p0 [hbm:s6], $0xF7A  }
0x23: {  	s9 =	sor.u32 $0xD0000000, s2;
	s6 =	simm.s32 $0x108;
	_ =	swait.ge @!p0 [sflag:s8], $0x0  }
0x24: {  	s3 =	sadd.s32 $0x88, s3;
	s6 =	simm.s32 @!p1 $0x1082;
	[sflag:s4] =	ssyncset.s32 $0xFFFFF086  }
0x25: {  	[simem:s6], [sflag:s4] =	dma.local [hbm:s3], $0xF7A  }
0x26: {  	[smem:$0x3F9D] =	sst s1;
	(tag) =	ssettag s2;
	_ =	strace s9  }
0x27: {  	s1 =	sld [smem:$0x3FAD]  }
0x28: {  	s2 =	sld [smem:$0x3FAE]  }
0x29: {  	s4 =	sld [smem:$0x3FB0]  }
0x2a: {  	p0 =	seq.s32 s5, $0x0;
	s5 =	sld [smem:$0x3FB1]  }
0x2b: {  	s6 =	sld [smem:$0x3FB2]  }
0x2c: {  	s7 =	sld [smem:$0x3FB3]  }
0x2d: {  	s3 =	simm.s32 $0x108;
	s8 =	sld [smem:$0x3FB4]  }
0x2e: {  	s3 =	simm.s32 @!p0 $0x1082;
	s9 =	sld [smem:$0x3FB5]  }
0x2f: {  	lr =	sadd.s32 s0, s3;
	s0 =	sld [smem:$0x3FAC]  }
0x30: {  	s3 =	sld [smem:$0x3FAF]  }
0x31: {  	[smem:$0x3FB8] =	sst s10  }
0x32: {  	s10 =	sld [smem:$0x3FB6];
	_ =	sdelay $0x3  }
0x33: {  	p0 =	seq.s32 s10, $0x1;
	s10 =	sld [smem:$0x3FB8];
	_ =	sdelay $0x3  }
0x34: {  	[smem:$0x3FB8] =	sst s10  }
0x35: {  	s10 =	sld [smem:$0x3FB7];
	_ =	sdelay $0x3  }
0x36: {  	p1 =	seq.s32 s10, $0x1;
	s10 =	sld [smem:$0x3FB8];
	_ =	sdelay $0x3  }
0x37: {  	[smem:$0x3FB8] =	sst s10  }
0x38: {  	s10 =	sld [smem:$0x3FB9]  }
0x39: {  	_ = 	snop;
	(pc) =	sbr.ind lr, $3  }
0x3a: {  	_ = 	snop  }
0x3b: {  	_ = 	snop  }
0x3c: {  	p2 =	seq.s32 s10, $0x1;
	s10 =	sld [smem:$0x3FB8]  }
0x3d: {  	_ =	shalt  }
0x3e: {  	_ =	shalt  }
0x3f: {  	_ =	shalt  }
0x40: {  	_ =	shalt  }
0x41: {  	_ =	shalt  }
0x42: {  	_ =	shalt  }
0x43: {  	_ =	shalt  }
0x44: {  	_ =	shalt  }
0x45: {  	_ =	shalt  }
0x46: {  	_ =	shalt  }
0x47: {  	_ =	shalt  }
0x48: {  	_ =	shalt  }
0x49: {  	_ =	shalt  }
0x4a: {  	_ =	shalt  }
0x4b: {  	_ =	shalt  }
0x4c: {  	_ =	shalt  }
0x4d: {  	_ =	shalt  }
0x4e: {  	_ =	shalt  }
0x4f: {  	_ =	shalt  }
0x50: {  	_ =	shalt  }
0x51: {  	_ =	shalt  }
0x52: {  	_ =	shalt  }
0x53: {  	_ =	shalt  }
0x54: {  	_ =	shalt  }
0x55: {  	_ =	shalt  }
0x56: {  	_ =	shalt  }
0x57: {  	_ =	shalt  }
0x58: {  	_ =	shalt  }
0x59: {  	_ =	shalt  }
0x5a: {  	_ =	shalt  }
0x5b: {  	_ =	shalt  }
0x5c: {  	_ =	shalt  }
0x5d: {  	_ =	shalt  }
0x5e: {  	_ =	shalt  }
0x5f: {  	_ =	shalt  }
0x60: {  	_ =	shalt  }
0x61: {  	_ =	shalt  }
0x62: {  	_ =	shalt  }
0x63: {  	_ =	shalt  }
0x64: {  	_ =	shalt  }
0x65: {  	_ =	shalt  }
0x66: {  	_ =	shalt  }
0x67: {  	_ =	shalt  }
0x68: {  	_ =	shalt  }
0x69: {  	_ =	shalt  }
0x6a: {  	_ =	shalt  }
0x6b: {  	_ =	shalt  }
0x6c: {  	_ =	shalt  }
0x6d: {  	_ =	shalt  }
0x6e: {  	_ =	shalt  }
0x6f: {  	_ =	shalt  }
0x70: {  	_ =	shalt  }
0x71: {  	_ =	shalt  }
0x72: {  	_ =	shalt  }
0x73: {  	_ =	shalt  }
0x74: {  	_ =	shalt  }
0x75: {  	_ =	shalt  }
0x76: {  	_ =	shalt  }
0x77: {  	_ =	shalt  }
0x78: {  	_ =	shalt  }
0x79: {  	_ =	shalt  }
0x7a: {  	_ =	shalt  }
0x7b: {  	_ =	shalt  }
0x7c: {  	_ =	shalt  }
0x7d: {  	_ =	shalt  }
0x7e: {  	_ =	shalt  }
0x7f: {  	_ =	shalt  }
0x80: {  	_ =	shalt  }
0x81: {  	_ =	shalt  }
0x82: {  	_ =	shalt  }
0x83: {  	_ =	shalt  }
0x84: {  	_ =	shalt  }
0x85: {  	_ =	shalt  }
0x86: {  	_ =	shalt  }
0x87: {  	_ =	shalt  }
.Lfunc_end0:
.L_simem_size_0:
called_computation.1_lowered:
.L_overlay_start_0:
0x88: {  	s2 =	sld [smem:$0x3FD9]  }
0x89: {  	s3 =	sld [smem:$0x3FFE];
	_ =	sdelay $0x1  }
0x8a: {  	s1 =	srdreg.scid  }
0x8b: {  	s0 =	sand.u32 $0x1, s1  }
0x8c: {  	s17 =	sshll.u32 s0, $0xA;
	s2 =	sadd.s32 s3, s2  }
0x8d: {  	s2 =	sadd.s32 s2, s17  }
0x8e: {  	[smem:$0x3FC4] =	sst s2  }
0x8f: {  	_ = 	snop  }
0x90: {  	s2 =	sld [smem:$0x3FD0];
	(tm) =	ssettm $0x1  }
0x91: {  	s18 =	sld [smem:$0x3FFB];
	_ =	sdelay $0x3  }
0x92: {  	_ =	strace s18  }
0x93: {  	s3 =	sld [smem:$0x3FFC];
	_ =	sdelay $0x3  }
0x94: {  	_ =	strace s3  }
0x95: {  	s3 =	sld [smem:$0x3FFD];
	_ =	sdelay $0x3  }
0x96: {  	_ =	strace s3  }
0x97: {  	_ =	strace $0x8FFFFFFF  }
0x98: {  	s19 =	sld [smem:$0x3FDB];
	_ =	sdelay $0x1  }
0x99: {  	s4 =	simm.s32 $_scs_section_size  }
0x9a: {  	s5 =	simm.s32 $_size__tile_overlayer_lowered;
	s6 =	simm.s32 $_tile_overlayer_lowered  }
0x9b: {  	s22 =	simm.s32 $0x1BFF;
	s21 =	sshll.u32 s6, $0x1;
	s3 =	sadd.s32 s4, s19  }
0x9c: {  	s7 =	simm.s32 $0x0;
	s20 =	sshll.u32 s5, $0x1;
	s5 =	sadd.s32 s21, s3  }
0x9d: {  	[timem:s7], [sflag:s22] =	dma.local [hbm:s5], s20  }
0x9e: {  	_ =	swait.ge [sflag:s22], s20  }
0x9f: {  	s4 =	ssub.s32 $0x0, s20;
	[sflag:s22] =	ssyncset.done $0x0  }
0xa0: {  	[sflag:s22] =	ssyncadd.s32 s4;
	_ =	sdelay $0x1  }
0xa1: {  	s23 =	simm.s32 $0x1B8B  }
0xa2: {  	_ =	swait.ge [sflag:s23], $0x1  }
0xa3: {  	[sflag:s23] =	ssyncset.done $0x0  }
0xa4: {  	s25 =	simm.s32 $0x1B8E;
	s24 =	sld [smem:$0x3FFE];
	[sflag:s23] =	ssyncadd.s32 $0xFFFFFFFF  }
0xa5: {  	s26 =	simm.s32 $execute0_lowered;
	[smem:$0x3FD2] =	sst s25  }
0xa6: {  	s5 =	sshll.u32 s26, $0x1;
	_ =	strace $0x80000046;
	[dreg:$0x1] =	wrdreg $0xFFFFFFFF  }
0xa7: {  	s28 =	simm.s32 $_size_execute0_lowered;
	s3 =	sadd.s32 s3, s5;
	[dreg:$0x0] =	wrdreg $0x0  }
0xa8: {  	s5 =	sshll.u32 s28, $0x1;
	[dreg:$0x2] =	wrdreg s3  }
0xa9: {  	[dreg:$0x3] =	wrdreg s5  }
0xaa: {  	[dreg:$0x4] =	wrdreg $0xC0  }
0xab: {  	_ =	task [dreg:s7], $0x5FFFF  }
0xac: {  	[dreg:$0x1] =	wrdreg $0xFFFFFFFF  }
0xad: {  	[dreg:$0x0] =	wrdreg $0x60  }
0xae: {  	[dreg:$0x2] =	wrdreg s24  }
0xaf: {  	[dreg:$0x3] =	wrdreg s2  }
0xb0: {  	[dreg:$0x4] =	wrdreg $0x9  }
0xb1: {  	_ =	task.clear_ibuf [dreg:s7], $0x5FFFF;
	_ =	strace $0x90000046  }
0xb2: {  	s29 =	simm.s32 $0x9;
	_ =	strace $0x80000048  }
0xb3: {  	_ =	swait.ge [sflag:s29], $0x1  }
0xb4: {  	[sflag:s29] =	ssyncadd.s32 $0xFFFFFFFF  }
0xb5: {  	_ =	strace $0x90000048  }
0xb6: {  	_ =	sfence  }
0xb7: {  	s30 =	sld [smem:$0x0];
	_ =	sdelay $0x2  }
0xb8: {  	s31 =	sshll.u32 s1, $0xD;
	s1 =	sshrl.u32 s1, $0x2  }
0xb9: {  	s3 =	sand.u32 $0x4000, s31;
	s1 =	sadd.s32 s1, s30  }
0xba: {  	s0 =	sor.u32 s3, s0;
	s1 =	sshll.u32 s1, $0x11  }
0xbb: {  	s0 =	sor.u32 s1, s0  }
0xbc: {  	s0 =	sadd.s32 $0x8F2B, s0  }
0xbd: {  	[sflag:s0] =	ssyncadd.remote.s32 $0x1  }
0xbe: {  	_ =	sfence.sel $0xFFFF  }
0xbf: {  	[dreg:$0x0] =	wrdreg $0xFFFFFFFF;
	(pc) =	sbr.abs _section_cstart, $3  }
0xc0: {  	[dreg:$0x1] =	wrdreg $0xFFFFFFFF  }
0xc1: {  	_ =	task.clear_ibuf [dreg:s7], $0x2FFFF;
	_ =	strace $0x9FFFFFFF  }
0xc2: {  	(tm) =	ssettm $0x7FFFFFFF  }
0xc3: {  	_ =	shalt  }
tec
execute0_lowered:
.L_overlay_start_1:
0x0: {  	(tag) =	ssettag $0x1  }
0x1: {  	s0 =	rddreg [dreg:$0x0]  }
0x2: {  	s1 =	rddreg [dreg:$0x1];
	s3 =	srdreg.scid  }
0x3: {  	s8 =	stileid.u32;
	s2 =	simm.s32 $0x0;
	s9 =	simm.s32 $0xA00  }
0x4: {  	s30 =	simm.s32 $0x1;
	s31 =	simm.s32 $0xAA00;
	s10 =	simm.s32 $0xDA00  }
0x5: {  	s11 =	simm.s32 $0xE200;
	s12 =	simm.s32 $0xEA00;
	s13 =	simm.s32 $0xF200  }
0x6: {  	s14 =	simm.s32 $0xFA00;
	s15 =	simm.s32 $0x10200;
	s16 =	simm.s32 $0x10A00  }
0x7: {  	s17 =	simm.s32 $0x11200;
	s18 =	simm.s32 $0x11A00;
	s19 =	simm.s32 $0x12200  }
0x8: {  	s20 =	simm.s32 $0x12A00;
	s21 =	simm.s32 $0x13200;
	s22 =	simm.s32 $0x13A00  }
0x9: {  	s23 =	simm.s32 $0x14200;
	s24 =	simm.s32 $0x2;
	s29 =	simm.s32 $0x0  }
0xa: {  	s4 =	sand.u32 $0x1, s3;
	s25 =	sshll.u32 s8, $0x1;
	[smem:$0x7FF] =	sst s2  }
0xb: {  	s8 =	smul.u32 $0x50000, s8;
	s3 =	sor.u32 s4, s25;
	_ =	strace $0x80000047  }
0xc: {  	s6 =	ssub.s32 $0x2, s4;
	s4 =	smul.u32 $0x28000, s4;
	s25 =	simm.s32 $0x3  }
0xd: {  	s5 =	smul.u32 $0x140, s3;
	s3 =	sadd.s32 $0x3800, s0;
	s7 =	sshrl.u32 s6, $0x1  }
.Ltmp0:
0xe: {  	s26 =	sadd.s32 s8, s1;
	s1 =	simm.s32 $0xBA00;
	(pc) =	sbr.rel .LBB2_1-.Ltmp0, $4  }
0xf: {  	s8 =	simm.s32 $0xD200;
	s6 =	ssub.s32 s6, s7;
	s7 =	sadd.s32 s4, s26  }
0x10: {  	v2 =	vlaneseq.u32;
	s4 =	simm.s32 $0xC200;
	s5 =	sadd.s32 s5, s0;
	s28 =	smax.u32 s6, $0x1  }
0x11: {  	vm0 =	vmmov $0xffff;
	v1 =	vshrl.u32 v2, $0x3;
	s6 =	simm.s32 $0xCA00;
	s5 =	sadd.s32 $0x1000, s5;
	[dreg:$0x4] =	wrdreg s28  }
0x12: {  	v0 =	vand.u32 $0x7, v2;
	v2 =	vor.u32 $0x8, v2;
	v1 =	vmul.u32 $0x8, v1;
	[dreg:$0x3] =	wrdreg s5;
	s5 =	sadd.s32 $0x3900, s0;
	s0 =	simm.s32 $0xB200  }
.LBB2_4:
0x13: {  	s28 =	simm.s32 $0x4  }
0x14: {  	_ =	swait.ge [sflag:s28], $0xA000  }
0x15: {  	s29 =	rddreg [dreg:$0x5]  }
0x16: {  	s26 =	rddreg [dreg:$0x4];
	s29 =	sadd.s32 $0x1, s29  }
0x17: {  	p0 =	sne.s32 s29, s26  }
.Ltmp1:
0x18: {  	_ = 	snop;
	(pc) =	sbr.rel @!p0 .LBB2_5-.Ltmp1, $3  }
0x19: {  	_ =	sdelay $0x1  }
0x1a: {  	[sflag:s28] =	ssyncset.done $0x0  }
0x1b: {  	[sflag:s28] =	ssyncadd.s32 $0xFFFF6000  }
.LBB2_1:
0x1c: {  	[dreg:$0x5] =	wrdreg s29  }
0x1d: {  	s26 =	rddreg [dreg:$0x3];
	s29 =	simm.s32 $0x5  }
0x1e: {  	[tilespmem:s2], [sflag:$0x5] =	stream.linear.gather [hbm4b:s26+s2], $0xA00, $0x38;
	[tilespmem:$0x14A00] =	vst v63  }
0x1f: {  	_ =	swait.ge [sflag:s29], $0xA00  }
0x20: {  	[sflag:s29] =	ssyncset.done $0x0  }
0x21: {  	[sflag:s29] =	ssyncadd.s32 $0xFFFFF600  }
0x22: {  	v3 =	vld [tilespmem:$0x0];
	_ =	sdelay $0x4  }
0x23: {  	v4 =	vshll.u32 v3, $0x2  }
0x24: {  	v3 =	vand.u32 $0x7, v3;
	v4 =	vand.u32 $0xFFFFFFE0, v4  }
0x25: {  	v3 =	vor.u32 v3, v4  }
0x26: {  	v4 =	vperm.xlane v3, v0;
	_ =	sdelay $0x1  }
0x27: {  	v4 =	vadd.s32 v1, v4;
	_ =	sdelay $0x1  }
0x28: {  	v3 =	vperm.xlane v3, v2;
	_ =	sdelay $0x1  }
0x29: {  	v3 =	vadd.s32 v1, v3  }
0x2a: {  	[tilespmem:s9], [sflag:$0x1] =	stream.indirect_vreg.gather [hbm4b:s3+s2], $0x80, v4, vm0, $0xb8;
	[tilespmem:$0x14A00] =	vst v63  }
0x2b: {  	s29 =	simm.s32 $0x1200  }
0x2c: {  	[tilespmem:s29], [sflag:$0x1] =	stream.indirect_vreg.gather [hbm4b:s5+s2], $0x80, v4, vm0, $0xb8;
	[tilespmem:$0x14A00] =	vst v63  }
0x2d: {  	s29 =	simm.s32 $0x1A00  }
0x2e: {  	[tilespmem:s29], [sflag:$0x1] =	stream.indirect_vreg.gather [hbm4b:s3+s2], $0x80, v3, vm0, $0xb8;
	[tilespmem:$0x14A00] =	vst v63  }
0x2f: {  	s29 =	simm.s32 $0x2200  }
0x30: {  	[tilespmem:s29], [sflag:$0x1] =	stream.indirect_vreg.gather [hbm4b:s5+s2], $0x80, v3, vm0, $0xb8;
	[tilespmem:$0x14A00] =	vst v63  }
0x31: {  	v3 =	vld [tilespmem:$0x10];
	_ =	sdelay $0x4  }
0x32: {  	v60 =	vshll.u32 v3, $0x2  }
0x33: {  	v3 =	vand.u32 $0x7, v3;
	v4 =	vand.u32 $0xFFFFFFE0, v60  }
0x34: {  	v3 =	vor.u32 v3, v4  }
0x35: {  	v4 =	vperm.xlane v3, v0;
	_ =	sdelay $0x1  }
0x36: {  	v4 =	vadd.s32 v1, v4;
	_ =	sdelay $0x1  }
0x37: {  	v3 =	vperm.xlane v3, v2;
	_ =	sdelay $0x1  }
0x38: {  	s29 =	simm.s32 $0x2A00;
	v3 =	vadd.s32 v1, v3  }
0x39: {  	[tilespmem:s29], [sflag:$0x1] =	stream.indirect_vreg.gather [hbm4b:s3+s2], $0x80, v4, vm0, $0xb8;
	[tilespmem:$0x14A00] =	vst v63  }
0x3a: {  	s29 =	simm.s32 $0x3200  }
0x3b: {  	[tilespmem:s29], [sflag:$0x1] =	stream.indirect_vreg.gather [hbm4b:s5+s2], $0x80, v4, vm0, $0xb8;
	[tilespmem:$0x14A00] =	vst v63  }
0x3c: {  	s29 =	simm.s32 $0x3A00  }
0x3d: {  	[tilespmem:s29], [sflag:$0x1] =	stream.indirect_vreg.gather [hbm4b:s3+s2], $0x80, v3, vm0, $0xb8;
	[tilespmem:$0x14A00] =	vst v63  }
0x3e: {  	s29 =	simm.s32 $0x4200  }
0x3f: {  	[tilespmem:s29], [sflag:$0x1] =	stream.indirect_vreg.gather [hbm4b:s5+s2], $0x80, v3, vm0, $0xb8;
	[tilespmem:$0x14A00] =	vst v63  }
0x40: {  	v3 =	vld [tilespmem:$0x20];
	_ =	sdelay $0x4  }
0x41: {  	v61 =	vshll.u32 v3, $0x2  }
0x42: {  	v3 =	vand.u32 $0x7, v3;
	v4 =	vand.u32 $0xFFFFFFE0, v61  }
0x43: {  	v3 =	vor.u32 v3, v4  }
0x44: {  	v4 =	vperm.xlane v3, v0;
	_ =	sdelay $0x1  }
0x45: {  	v4 =	vadd.s32 v1, v4;
	_ =	sdelay $0x1  }
0x46: {  	v3 =	vperm.xlane v3, v2;
	_ =	sdelay $0x1  }
0x47: {  	s29 =	simm.s32 $0x4A00;
	v3 =	vadd.s32 v1, v3  }
0x48: {  	[tilespmem:s29], [sflag:$0x1] =	stream.indirect_vreg.gather [hbm4b:s3+s2], $0x80, v4, vm0, $0xb8;
	[tilespmem:$0x14A00] =	vst v63  }
0x49: {  	s29 =	simm.s32 $0x5200  }
0x4a: {  	[tilespmem:s29], [sflag:$0x1] =	stream.indirect_vreg.gather [hbm4b:s5+s2], $0x80, v4, vm0, $0xb8;
	[tilespmem:$0x14A00] =	vst v63  }
0x4b: {  	s29 =	simm.s32 $0x5A00  }
0x4c: {  	[tilespmem:s29], [sflag:$0x1] =	stream.indirect_vreg.gather [hbm4b:s3+s2], $0x80, v3, vm0, $0xb8;
	[tilespmem:$0x14A00] =	vst v63  }
0x4d: {  	s29 =	simm.s32 $0x6200  }
0x4e: {  	[tilespmem:s29], [sflag:$0x1] =	stream.indirect_vreg.gather [hbm4b:s5+s2], $0x80, v3, vm0, $0xb8;
	[tilespmem:$0x14A00] =	vst v63  }
0x4f: {  	v3 =	vld [tilespmem:$0x30];
	_ =	sdelay $0x4  }
0x50: {  	v62 =	vshll.u32 v3, $0x2  }
0x51: {  	v3 =	vand.u32 $0x7, v3;
	v4 =	vand.u32 $0xFFFFFFE0, v62  }
0x52: {  	v3 =	vor.u32 v3, v4  }
0x53: {  	v4 =	vperm.xlane v3, v0;
	_ =	sdelay $0x1  }
0x54: {  	v4 =	vadd.s32 v1, v4;
	_ =	sdelay $0x1  }
0x55: {  	v3 =	vperm.xlane v3, v2;
	_ =	sdelay $0x1  }
0x56: {  	s29 =	simm.s32 $0x6A00;
	v3 =	vadd.s32 v1, v3  }
0x57: {  	[tilespmem:s29], [sflag:$0x1] =	stream.indirect_vreg.gather [hbm4b:s3+s2], $0x80, v4, vm0, $0xb8;
	[tilespmem:$0x14A00] =	vst v63  }
0x58: {  	s29 =	simm.s32 $0x7200  }
0x59: {  	[tilespmem:s29], [sflag:$0x1] =	stream.indirect_vreg.gather [hbm4b:s5+s2], $0x80, v4, vm0, $0xb8;
	[tilespmem:$0x14A00] =	vst v63  }
0x5a: {  	s29 =	simm.s32 $0x7A00  }
0x5b: {  	[tilespmem:s29], [sflag:$0x1] =	stream.indirect_vreg.gather [hbm4b:s3+s2], $0x80, v3, vm0, $0xb8;
	[tilespmem:$0x14A00] =	vst v63  }
0x5c: {  	s29 =	simm.s32 $0x8200  }
0x5d: {  	[tilespmem:s29], [sflag:$0x1] =	stream.indirect_vreg.gather [hbm4b:s5+s2], $0x80, v3, vm0, $0xb8;
	[tilespmem:$0x14A00] =	vst v63  }
0x5e: {  	v3 =	vld [tilespmem:$0x40];
	_ =	sdelay $0x4  }
0x5f: {  	v63 =	vshll.u32 v3, $0x2  }
0x60: {  	v3 =	vand.u32 $0x7, v3;
	v4 =	vand.u32 $0xFFFFFFE0, v63  }
0x61: {  	v3 =	vor.u32 v3, v4  }
0x62: {  	v4 =	vperm.xlane v3, v0;
	_ =	sdelay $0x1  }
0x63: {  	v4 =	vadd.s32 v1, v4;
	_ =	sdelay $0x1  }
0x64: {  	v3 =	vperm.xlane v3, v2;
	_ =	sdelay $0x1  }
0x65: {  	s29 =	simm.s32 $0x8A00;
	v3 =	vadd.s32 v1, v3  }
0x66: {  	[tilespmem:s29], [sflag:$0x1] =	stream.indirect_vreg.gather [hbm4b:s3+s2], $0x80, v4, vm0, $0xb8;
	[tilespmem:$0x14A00] =	vst v63  }
0x67: {  	s29 =	simm.s32 $0x9200  }
0x68: {  	[tilespmem:s29], [sflag:$0x1] =	stream.indirect_vreg.gather [hbm4b:s5+s2], $0x80, v4, vm0, $0xb8;
	[tilespmem:$0x14A00] =	vst v63  }
0x69: {  	s29 =	simm.s32 $0x9A00  }
0x6a: {  	[tilespmem:s29], [sflag:$0x1] =	stream.indirect_vreg.gather [hbm4b:s3+s2], $0x80, v3, vm0, $0xb8;
	[tilespmem:$0x14A00] =	vst v63  }
0x6b: {  	s28 =	simm.s32 $0x0;
	s26 =	simm.s32 $0x70;
	s29 =	simm.s32 $0xA200  }
0x6c: {  	[tilespmem:s29], [sflag:$0x1] =	stream.indirect_vreg.gather [hbm4b:s5+s2], $0x80, v3, vm0, $0xb8;
	[tilespmem:$0x14A00] =	vst v63  }
.LBB2_2:
0x6d: {  	_ =	swait.ge [sflag:s30], $0xA000  }
0x6e: {  	p0 =	seq.s32 s28, $0x0;
	[sflag:s30] =	ssyncset.done $0x0  }
0x6f: {  	s29 =	simm.s32 @!p0 $0x4;
	[sflag:s30] =	ssyncadd.s32 $0xFFFF6000  }
0x70: {  	_ =	swait.ge @!p0 [sflag:s29], $0xA000  }
0x71: {  	[sflag:s29] =	ssyncset.done @!p0 $0x0  }
0x72: {  	[sflag:s29] =	ssyncadd.s32 @!p0 $0xFFFF6000;
	s29 =	sadd.s32 s28, s7  }
0x73: {  	[hbm4b:s29+s2] =	stream.linear.scatter [tilespmem:s9], [sflag:$0x3], $0xA000, $0x38;
	[tilespmem:$0x14A00] =	vst v63  }
0x74: {  	v3 =	vld [tilespmem:s26+$0xFFFFFFE0];
	_ =	sdelay $0x4  }
0x75: {  	v4 =	vshll.u32 v3, $0x2  }
0x76: {  	v3 =	vand.u32 $0x7, v3;
	v4 =	vand.u32 $0xFFFFFFE0, v4  }
0x77: {  	v3 =	vor.u32 v3, v4  }
0x78: {  	v4 =	vperm.xlane v3, v0;
	_ =	sdelay $0x1  }
0x79: {  	v4 =	vadd.s32 v1, v4;
	_ =	sdelay $0x1  }
0x7a: {  	v3 =	vperm.xlane v3, v2;
	_ =	sdelay $0x1  }
0x7b: {  	v3 =	vadd.s32 v1, v3  }
0x7c: {  	[tilespmem:s31], [sflag:$0x2] =	stream.indirect_vreg.gather [hbm4b:s3+s2], $0x80, v4, vm0, $0xb8;
	[tilespmem:$0x14A00] =	vst v63  }
0x7d: {  	_ = 	snop  }
0x7e: {  	[tilespmem:s0], [sflag:$0x2] =	stream.indirect_vreg.gather [hbm4b:s5+s2], $0x80, v4, vm0, $0xb8;
	[tilespmem:$0x14A00] =	vst v63  }
0x7f: {  	_ = 	snop  }
0x80: {  	[tilespmem:s1], [sflag:$0x2] =	stream.indirect_vreg.gather [hbm4b:s3+s2], $0x80, v3, vm0, $0xb8;
	[tilespmem:$0x14A00] =	vst v63  }
0x81: {  	_ = 	snop  }
0x82: {  	[tilespmem:s4], [sflag:$0x2] =	stream.indirect_vreg.gather [hbm4b:s5+s2], $0x80, v3, vm0, $0xb8;
	[tilespmem:$0x14A00] =	vst v63  }
0x83: {  	v3 =	vld [tilespmem:s26+$0xFFFFFFF0];
	_ =	sdelay $0x4  }
0x84: {  	v60 =	vshll.u32 v3, $0x2  }
0x85: {  	v3 =	vand.u32 $0x7, v3;
	v4 =	vand.u32 $0xFFFFFFE0, v60  }
0x86: {  	v3 =	vor.u32 v3, v4  }
0x87: {  	v4 =	vperm.xlane v3, v0;
	_ =	sdelay $0x1  }
0x88: {  	v4 =	vadd.s32 v1, v4;
	_ =	sdelay $0x1  }
0x89: {  	v3 =	vperm.xlane v3, v2;
	_ =	sdelay $0x1  }
0x8a: {  	v3 =	vadd.s32 v1, v3  }
0x8b: {  	[tilespmem:s6], [sflag:$0x2] =	stream.indirect_vreg.gather [hbm4b:s3+s2], $0x80, v4, vm0, $0xb8;
	[tilespmem:$0x14A00] =	vst v63  }
0x8c: {  	_ = 	snop  }
0x8d: {  	[tilespmem:s8], [sflag:$0x2] =	stream.indirect_vreg.gather [hbm4b:s5+s2], $0x80, v4, vm0, $0xb8;
	[tilespmem:$0x14A00] =	vst v63  }
0x8e: {  	_ = 	snop  }
0x8f: {  	[tilespmem:s10], [sflag:$0x2] =	stream.indirect_vreg.gather [hbm4b:s3+s2], $0x80, v3, vm0, $0xb8;
	[tilespmem:$0x14A00] =	vst v63  }
0x90: {  	_ = 	snop  }
0x91: {  	[tilespmem:s11], [sflag:$0x2] =	stream.indirect_vreg.gather [hbm4b:s5+s2], $0x80, v3, vm0, $0xb8;
	[tilespmem:$0x14A00] =	vst v63  }
0x92: {  	v3 =	vld [tilespmem:s26+$0x0];
	_ =	sdelay $0x4  }
0x93: {  	v61 =	vshll.u32 v3, $0x2  }
0x94: {  	v3 =	vand.u32 $0x7, v3;
	v4 =	vand.u32 $0xFFFFFFE0, v61  }
0x95: {  	v3 =	vor.u32 v3, v4  }
0x96: {  	v4 =	vperm.xlane v3, v0;
	_ =	sdelay $0x1  }
0x97: {  	v4 =	vadd.s32 v1, v4;
	_ =	sdelay $0x1  }
0x98: {  	v3 =	vperm.xlane v3, v2;
	_ =	sdelay $0x1  }
0x99: {  	v3 =	vadd.s32 v1, v3  }
0x9a: {  	[tilespmem:s12], [sflag:$0x2] =	stream.indirect_vreg.gather [hbm4b:s3+s2], $0x80, v4, vm0, $0xb8;
	[tilespmem:$0x14A00] =	vst v63  }
0x9b: {  	_ = 	snop  }
0x9c: {  	[tilespmem:s13], [sflag:$0x2] =	stream.indirect_vreg.gather [hbm4b:s5+s2], $0x80, v4, vm0, $0xb8;
	[tilespmem:$0x14A00] =	vst v63  }
0x9d: {  	_ = 	snop  }
0x9e: {  	[tilespmem:s14], [sflag:$0x2] =	stream.indirect_vreg.gather [hbm4b:s3+s2], $0x80, v3, vm0, $0xb8;
	[tilespmem:$0x14A00] =	vst v63  }
0x9f: {  	_ = 	snop  }
0xa0: {  	[tilespmem:s15], [sflag:$0x2] =	stream.indirect_vreg.gather [hbm4b:s5+s2], $0x80, v3, vm0, $0xb8;
	[tilespmem:$0x14A00] =	vst v63  }
0xa1: {  	v3 =	vld [tilespmem:s26+$0x10];
	_ =	sdelay $0x4  }
0xa2: {  	v62 =	vshll.u32 v3, $0x2  }
0xa3: {  	v3 =	vand.u32 $0x7, v3;
	v4 =	vand.u32 $0xFFFFFFE0, v62  }
0xa4: {  	v3 =	vor.u32 v3, v4  }
0xa5: {  	v4 =	vperm.xlane v3, v0;
	_ =	sdelay $0x1  }
0xa6: {  	v4 =	vadd.s32 v1, v4;
	_ =	sdelay $0x1  }
0xa7: {  	v3 =	vperm.xlane v3, v2;
	_ =	sdelay $0x1  }
0xa8: {  	v3 =	vadd.s32 v1, v3  }
0xa9: {  	[tilespmem:s16], [sflag:$0x2] =	stream.indirect_vreg.gather [hbm4b:s3+s2], $0x80, v4, vm0, $0xb8;
	[tilespmem:$0x14A00] =	vst v63  }
0xaa: {  	_ = 	snop  }
0xab: {  	[tilespmem:s17], [sflag:$0x2] =	stream.indirect_vreg.gather [hbm4b:s5+s2], $0x80, v4, vm0, $0xb8;
	[tilespmem:$0x14A00] =	vst v63  }
0xac: {  	_ = 	snop  }
0xad: {  	[tilespmem:s18], [sflag:$0x2] =	stream.indirect_vreg.gather [hbm4b:s3+s2], $0x80, v3, vm0, $0xb8;
	[tilespmem:$0x14A00] =	vst v63  }
0xae: {  	_ = 	snop  }
0xaf: {  	[tilespmem:s19], [sflag:$0x2] =	stream.indirect_vreg.gather [hbm4b:s5+s2], $0x80, v3, vm0, $0xb8;
	[tilespmem:$0x14A00] =	vst v63  }
0xb0: {  	v3 =	vld [tilespmem:s26+$0x20];
	_ =	sdelay $0x4  }
0xb1: {  	v63 =	vshll.u32 v3, $0x2  }
0xb2: {  	v3 =	vand.u32 $0x7, v3;
	v4 =	vand.u32 $0xFFFFFFE0, v63  }
0xb3: {  	v3 =	vor.u32 v3, v4  }
0xb4: {  	v4 =	vperm.xlane v3, v0;
	_ =	sdelay $0x1  }
0xb5: {  	v4 =	vadd.s32 v1, v4;
	_ =	sdelay $0x1  }
0xb6: {  	v3 =	vperm.xlane v3, v2;
	_ =	sdelay $0x1  }
0xb7: {  	v3 =	vadd.s32 v1, v3  }
0xb8: {  	[tilespmem:s20], [sflag:$0x2] =	stream.indirect_vreg.gather [hbm4b:s3+s2], $0x80, v4, vm0, $0xb8;
	[tilespmem:$0x14A00] =	vst v63  }
0xb9: {  	_ = 	snop  }
0xba: {  	[tilespmem:s21], [sflag:$0x2] =	stream.indirect_vreg.gather [hbm4b:s5+s2], $0x80, v4, vm0, $0xb8;
	[tilespmem:$0x14A00] =	vst v63  }
0xbb: {  	_ = 	snop  }
0xbc: {  	[tilespmem:s22], [sflag:$0x2] =	stream.indirect_vreg.gather [hbm4b:s3+s2], $0x80, v3, vm0, $0xb8;
	[tilespmem:$0x14A00] =	vst v63  }
0xbd: {  	_ = 	snop  }
0xbe: {  	[tilespmem:s23], [sflag:$0x2] =	stream.indirect_vreg.gather [hbm4b:s5+s2], $0x80, v3, vm0, $0xb8;
	[tilespmem:$0x14A00] =	vst v63  }
0xbf: {  	_ =	swait.ge [sflag:s24], $0xA000  }
0xc0: {  	p0 =	seq.s32 s28, $0x25800;
	[sflag:s24] =	ssyncset.done $0x0  }
.Ltmp2:
0xc1: {  	[sflag:s24] =	ssyncadd.s32 $0xFFFF6000;
	(pc) =	sbr.rel @p0 .LBB2_4-.Ltmp2, $4  }
0xc2: {  	_ =	swait.ge [sflag:s25], $0xA000  }
0xc3: {  	[sflag:s25] =	ssyncset.done $0x0  }
0xc4: {  	s29 =	sadd.s32 $0x1400, s29;
	[sflag:s25] =	ssyncadd.s32 $0xFFFF6000  }
0xc5: {  	[hbm4b:s29+s2] =	stream.linear.scatter [tilespmem:s31], [sflag:$0x4], $0xA000, $0x38;
	[tilespmem:$0x14A00] =	vst v63  }
0xc6: {  	v3 =	vld [tilespmem:s26+$0x30];
	_ =	sdelay $0x4  }
0xc7: {  	v4 =	vshll.u32 v3, $0x2  }
0xc8: {  	v3 =	vand.u32 $0x7, v3;
	v4 =	vand.u32 $0xFFFFFFE0, v4  }
0xc9: {  	v3 =	vor.u32 v3, v4  }
0xca: {  	v4 =	vperm.xlane v3, v0;
	_ =	sdelay $0x1  }
0xcb: {  	v4 =	vadd.s32 v1, v4;
	_ =	sdelay $0x1  }
0xcc: {  	v3 =	vperm.xlane v3, v2;
	_ =	sdelay $0x1  }
0xcd: {  	v3 =	vadd.s32 v1, v3  }
0xce: {  	[tilespmem:s9], [sflag:$0x1] =	stream.indirect_vreg.gather [hbm4b:s3+s2], $0x80, v4, vm0, $0xb8;
	[tilespmem:$0x14A00] =	vst v63  }
0xcf: {  	s29 =	simm.s32 $0x1200  }
0xd0: {  	[tilespmem:s29], [sflag:$0x1] =	stream.indirect_vreg.gather [hbm4b:s5+s2], $0x80, v4, vm0, $0xb8;
	[tilespmem:$0x14A00] =	vst v63  }
0xd1: {  	s29 =	simm.s32 $0x1A00  }
0xd2: {  	[tilespmem:s29], [sflag:$0x1] =	stream.indirect_vreg.gather [hbm4b:s3+s2], $0x80, v3, vm0, $0xb8;
	[tilespmem:$0x14A00] =	vst v63  }
0xd3: {  	s29 =	simm.s32 $0x2200  }
0xd4: {  	[tilespmem:s29], [sflag:$0x1] =	stream.indirect_vreg.gather [hbm4b:s5+s2], $0x80, v3, vm0, $0xb8;
	[tilespmem:$0x14A00] =	vst v63  }
0xd5: {  	v3 =	vld [tilespmem:s26+$0x40];
	_ =	sdelay $0x4  }
0xd6: {  	v60 =	vshll.u32 v3, $0x2  }
0xd7: {  	v3 =	vand.u32 $0x7, v3;
	v4 =	vand.u32 $0xFFFFFFE0, v60  }
0xd8: {  	v3 =	vor.u32 v3, v4  }
0xd9: {  	v4 =	vperm.xlane v3, v0;
	_ =	sdelay $0x1  }
0xda: {  	v4 =	vadd.s32 v1, v4;
	_ =	sdelay $0x1  }
0xdb: {  	v3 =	vperm.xlane v3, v2;
	_ =	sdelay $0x1  }
0xdc: {  	s29 =	simm.s32 $0x2A00;
	v3 =	vadd.s32 v1, v3  }
0xdd: {  	[tilespmem:s29], [sflag:$0x1] =	stream.indirect_vreg.gather [hbm4b:s3+s2], $0x80, v4, vm0, $0xb8;
	[tilespmem:$0x14A00] =	vst v63  }
0xde: {  	s29 =	simm.s32 $0x3200  }
0xdf: {  	[tilespmem:s29], [sflag:$0x1] =	stream.indirect_vreg.gather [hbm4b:s5+s2], $0x80, v4, vm0, $0xb8;
	[tilespmem:$0x14A00] =	vst v63  }
0xe0: {  	s29 =	simm.s32 $0x3A00  }
0xe1: {  	[tilespmem:s29], [sflag:$0x1] =	stream.indirect_vreg.gather [hbm4b:s3+s2], $0x80, v3, vm0, $0xb8;
	[tilespmem:$0x14A00] =	vst v63  }
0xe2: {  	s29 =	simm.s32 $0x4200  }
0xe3: {  	[tilespmem:s29], [sflag:$0x1] =	stream.indirect_vreg.gather [hbm4b:s5+s2], $0x80, v3, vm0, $0xb8;
	[tilespmem:$0x14A00] =	vst v63  }
0xe4: {  	v3 =	vld [tilespmem:s26+$0x50];
	_ =	sdelay $0x4  }
0xe5: {  	v61 =	vshll.u32 v3, $0x2  }
0xe6: {  	v3 =	vand.u32 $0x7, v3;
	v4 =	vand.u32 $0xFFFFFFE0, v61  }
0xe7: {  	v3 =	vor.u32 v3, v4  }
0xe8: {  	v4 =	vperm.xlane v3, v0;
	_ =	sdelay $0x1  }
0xe9: {  	v4 =	vadd.s32 v1, v4;
	_ =	sdelay $0x1  }
0xea: {  	v3 =	vperm.xlane v3, v2;
	_ =	sdelay $0x1  }
0xeb: {  	s29 =	simm.s32 $0x4A00;
	v3 =	vadd.s32 v1, v3  }
0xec: {  	[tilespmem:s29], [sflag:$0x1] =	stream.indirect_vreg.gather [hbm4b:s3+s2], $0x80, v4, vm0, $0xb8;
	[tilespmem:$0x14A00] =	vst v63  }
0xed: {  	s29 =	simm.s32 $0x5200  }
0xee: {  	[tilespmem:s29], [sflag:$0x1] =	stream.indirect_vreg.gather [hbm4b:s5+s2], $0x80, v4, vm0, $0xb8;
	[tilespmem:$0x14A00] =	vst v63  }
0xef: {  	s29 =	simm.s32 $0x5A00  }
0xf0: {  	[tilespmem:s29], [sflag:$0x1] =	stream.indirect_vreg.gather [hbm4b:s3+s2], $0x80, v3, vm0, $0xb8;
	[tilespmem:$0x14A00] =	vst v63  }
0xf1: {  	s29 =	simm.s32 $0x6200  }
0xf2: {  	[tilespmem:s29], [sflag:$0x1] =	stream.indirect_vreg.gather [hbm4b:s5+s2], $0x80, v3, vm0, $0xb8;
	[tilespmem:$0x14A00] =	vst v63  }
0xf3: {  	v3 =	vld [tilespmem:s26+$0x60];
	_ =	sdelay $0x4  }
0xf4: {  	v62 =	vshll.u32 v3, $0x2  }
0xf5: {  	v3 =	vand.u32 $0x7, v3;
	v4 =	vand.u32 $0xFFFFFFE0, v62  }
0xf6: {  	v3 =	vor.u32 v3, v4  }
0xf7: {  	v4 =	vperm.xlane v3, v0;
	_ =	sdelay $0x1  }
0xf8: {  	v4 =	vadd.s32 v1, v4;
	_ =	sdelay $0x1  }
0xf9: {  	v3 =	vperm.xlane v3, v2;
	_ =	sdelay $0x1  }
0xfa: {  	s29 =	simm.s32 $0x6A00;
	v3 =	vadd.s32 v1, v3  }
0xfb: {  	[tilespmem:s29], [sflag:$0x1] =	stream.indirect_vreg.gather [hbm4b:s3+s2], $0x80, v4, vm0, $0xb8;
	[tilespmem:$0x14A00] =	vst v63  }
0xfc: {  	s29 =	simm.s32 $0x7200  }
0xfd: {  	[tilespmem:s29], [sflag:$0x1] =	stream.indirect_vreg.gather [hbm4b:s5+s2], $0x80, v4, vm0, $0xb8;
	[tilespmem:$0x14A00] =	vst v63  }
0xfe: {  	s29 =	simm.s32 $0x7A00  }
0xff: {  	[tilespmem:s29], [sflag:$0x1] =	stream.indirect_vreg.gather [hbm4b:s3+s2], $0x80, v3, vm0, $0xb8;
	[tilespmem:$0x14A00] =	vst v63  }
0x100: {  	s29 =	simm.s32 $0x8200  }
0x101: {  	[tilespmem:s29], [sflag:$0x1] =	stream.indirect_vreg.gather [hbm4b:s5+s2], $0x80, v3, vm0, $0xb8;
	[tilespmem:$0x14A00] =	vst v63  }
0x102: {  	v3 =	vld [tilespmem:s26+$0x70];
	_ =	sdelay $0x4  }
0x103: {  	v63 =	vshll.u32 v3, $0x2  }
0x104: {  	v3 =	vand.u32 $0x7, v3;
	v4 =	vand.u32 $0xFFFFFFE0, v63  }
0x105: {  	v3 =	vor.u32 v3, v4  }
0x106: {  	v4 =	vperm.xlane v3, v0;
	_ =	sdelay $0x1  }
0x107: {  	v4 =	vadd.s32 v1, v4;
	_ =	sdelay $0x2  }
0x108: {  	v3 =	vperm.xlane v3, v2  }
0x109: {  	s29 =	simm.s32 $0x8A00  }
0x10a: {  	v3 =	vadd.s32 v1, v3;
	[tilespmem:s29], [sflag:$0x1] =	stream.indirect_vreg.gather [hbm4b:s3+s2], $0x80, v4, vm0, $0xb8;
	[tilespmem:$0x14A00] =	vst v63  }
0x10b: {  	s29 =	simm.s32 $0x9200  }
0x10c: {  	[tilespmem:s29], [sflag:$0x1] =	stream.indirect_vreg.gather [hbm4b:s5+s2], $0x80, v4, vm0, $0xb8;
	[tilespmem:$0x14A00] =	vst v63  }
.Ltmp3:
0x10d: {  	_ = 	snop;
	(pc) =	sbr.rel .LBB2_2-.Ltmp3, $4  }
0x10e: {  	s29 =	simm.s32 $0x9A00  }
0x10f: {  	[tilespmem:s29], [sflag:$0x1] =	stream.indirect_vreg.gather [hbm4b:s3+s2], $0x80, v3, vm0, $0xb8;
	[tilespmem:$0x14A00] =	vst v63  }
0x110: {  	s28 =	sadd.s32 $0x2800, s28;
	s26 =	sadd.s32 $0xA0, s26;
	s29 =	simm.s32 $0xA200  }
0x111: {  	[tilespmem:s29], [sflag:$0x1] =	stream.indirect_vreg.gather [hbm4b:s5+s2], $0x80, v3, vm0, $0xb8;
	[tilespmem:$0x14A00] =	vst v63  }
.LBB2_5:
0x112: {  	_ =	sfence.sel $0x180000  }
0x113: {  	[bflag:$0x0] =	sbarrier.arrive $0xFFFF  }
0x114: {  	_ =	strace $0x90000047  }
0x115: {  	s0 =	stileid.u32;
	[bflag:$0x2] =	sbarrier.arrive $0xFFFF  }
0x116: {  	p0 =	sne.s32 s0, $0x0;
	s0 =	rddreg [dreg:$0x2]  }
0x117: {  	s0 =	sadd.s32 @!p0 $0x100000, s0  }
0x118: {  	[sflag:s0] =	ssyncadd.tile.s32 @!p0 $0x1;
	_ =	shalt  }
.Lfunc_end2:
_tile_overlayer_lowered:
.L_overlay_start_2:
0x119: {  	(tag) =	ssettag $0x2  }
0x11a: {  	s0 =	rddreg [dreg:$0x0];
	s2 =	stileid.u32  }
0x11b: {  	s1 =	rddreg [dreg:$0x1];
	p0 =	sne.s32 s2, $0x0  }
0x11c: {  	s3 =	rddreg [dreg:$0x2];
	[bflag:$0x3] =	sbarrier.arrive $0xFFFF;
	s2 =	simm.s32 @!p0 $0x1C05  }
0x11d: {  	[timem:s3], [sflag:s2] =	dma.local @!p0 [hbm:s0], s1  }
0x11e: {  	s0 =	simm.s32 @!p0 $0x5  }
0x11f: {  	_ =	swait.ge @!p0 [sflag:s0], s1  }
0x120: {  	s1 =	ssub.s32 @!p0 $0x0, s1;
	[sflag:s0] =	ssyncset.done @!p0 $0x0  }
0x121: {  	[sflag:s0] =	ssyncadd.s32 @!p0 s1  }
0x122: {  	[bflag:$0x3] =	sbarrier.arrive $0xFFFF  }
0x123: {  	_ =	shalt  }

// kernel: sparse-core-data-format-call.cloned.1.call-start
scs
called_computation_lowered:
.L_overlay_start_0:
0x0: {  	s2 =	sld [smem:$0x3FD9]  }
0x1: {  	s3 =	sld [smem:$0x3FFE];
	_ =	sdelay $0x1  }
0x2: {  	s1 =	srdreg.scid  }
0x3: {  	s0 =	sand.u32 $0x1, s1  }
0x4: {  	s18 =	sshll.u32 s0, $0xA;
	s2 =	sadd.s32 s3, s2  }
0x5: {  	s2 =	sadd.s32 s2, s18  }
0x6: {  	[smem:$0x3FC4] =	sst s2  }
0x7: {  	_ = 	snop  }
0x8: {  	s2 =	sld [smem:$0x3FD0];
	(tm) =	ssettm $0x1  }
0x9: {  	s19 =	sld [smem:$0x3FFB];
	_ =	sdelay $0x3  }
0xa: {  	_ =	strace s19  }
0xb: {  	s3 =	sld [smem:$0x3FFC];
	_ =	sdelay $0x3  }
0xc: {  	_ =	strace s3  }
0xd: {  	s3 =	sld [smem:$0x3FFD];
	_ =	sdelay $0x3  }
0xe: {  	_ =	strace s3  }
0xf: {  	_ =	strace $0x8FFFFFFF  }
0x10: {  	s20 =	sld [smem:$0x3FDB];
	_ =	sdelay $0x1  }
0x11: {  	s4 =	simm.s32 $_scs_section_size  }
0x12: {  	s5 =	simm.s32 $_size__tile_overlayer_lowered;
	s6 =	simm.s32 $_tile_overlayer_lowered  }
0x13: {  	s23 =	simm.s32 $0x1BFF;
	s22 =	sshll.u32 s6, $0x1;
	s3 =	sadd.s32 s4, s20  }
0x14: {  	s7 =	simm.s32 $0x0;
	s21 =	sshll.u32 s5, $0x1;
	s5 =	sadd.s32 s22, s3  }
0x15: {  	[timem:s7], [sflag:s23] =	dma.local [hbm:s5], s21  }
0x16: {  	_ =	swait.ge [sflag:s23], s21  }
0x17: {  	s4 =	ssub.s32 $0x0, s21;
	[sflag:s23] =	ssyncset.done $0x0  }
0x18: {  	[sflag:s23] =	ssyncadd.s32 s4;
	_ =	sdelay $0x1  }
0x19: {  	s24 =	simm.s32 $0x1B8B  }
0x1a: {  	_ =	swait.ge [sflag:s24], $0x1  }
0x1b: {  	[sflag:s24] =	ssyncset.done $0x0  }
0x1c: {  	s26 =	simm.s32 $0x1B8E;
	s25 =	sld [smem:$0x3FFE];
	[sflag:s24] =	ssyncadd.s32 $0xFFFFFFFF  }
0x1d: {  	s27 =	simm.s32 $execute0_lowered;
	[smem:$0x3FD2] =	sst s26  }
0x1e: {  	s5 =	sshll.u32 s27, $0x1;
	_ =	strace $0x80000049;
	[dreg:$0x1] =	wrdreg $0xFFFFFFFF  }
0x1f: {  	s28 =	simm.s32 $_size_execute0_lowered;
	s3 =	sadd.s32 s3, s5;
	[dreg:$0x0] =	wrdreg $0x0  }
0x20: {  	s5 =	sshll.u32 s28, $0x1;
	[dreg:$0x2] =	wrdreg s3  }
0x21: {  	[dreg:$0x3] =	wrdreg s5  }
0x22: {  	[dreg:$0x4] =	wrdreg $0xC0  }
0x23: {  	_ =	task [dreg:s7], $0x5FFFF  }
0x24: {  	[dreg:$0x1] =	wrdreg $0xFFFFFFFF  }
0x25: {  	[dreg:$0x0] =	wrdreg $0x60  }
0x26: {  	[dreg:$0x2] =	wrdreg s25  }
0x27: {  	[dreg:$0x3] =	wrdreg s2  }
0x28: {  	[dreg:$0x4] =	wrdreg $0x9  }
0x29: {  	_ =	task.clear_ibuf [dreg:s7], $0x5FFFF;
	_ =	strace $0x90000049  }
0x2a: {  	s29 =	simm.s32 $0x9;
	_ =	strace $0x8000004B  }
0x2b: {  	_ =	swait.ge [sflag:s29], $0x1  }
0x2c: {  	[sflag:s29] =	ssyncadd.s32 $0xFFFFFFFF  }
0x2d: {  	_ =	strace $0x9000004B  }
0x2e: {  	_ =	sfence  }
0x2f: {  	s30 =	sld [smem:$0x0];
	_ =	sdelay $0x2  }
0x30: {  	s31 =	sshll.u32 s1, $0xD;
	s1 =	sshrl.u32 s1, $0x2  }
0x31: {  	s3 =	sand.u32 $0x4000, s31;
	s1 =	sadd.s32 s1, s30  }
0x32: {  	s0 =	sor.u32 s3, s0;
	s1 =	sshll.u32 s1, $0x11  }
0x33: {  	s0 =	sor.u32 s1, s0  }
0x34: {  	s0 =	sadd.s32 $0x8F2B, s0  }
0x35: {  	[sflag:s0] =	ssyncadd.remote.s32 $0x1  }
0x36: {  	_ =	sfence.sel $0xFFFF  }
0x37: {  	[dreg:$0x0] =	wrdreg $0xFFFFFFFF;
	(pc) =	sbr.abs _section_cstart, $3  }
0x38: {  	[dreg:$0x1] =	wrdreg $0xFFFFFFFF  }
0x39: {  	_ =	task.clear_ibuf [dreg:s7], $0x2FFFF;
	_ =	strace $0x9FFFFFFF  }
0x3a: {  	(tm) =	ssettm $0x7FFFFFFF  }
0x3b: {  	_ =	shalt  }
tec
execute0_lowered:
.L_overlay_start_1:
0x0: {  	(tag) =	ssettag $0x1  }
0x1: {  	s0 =	srdreg.scid  }
0x2: {  	s1 =	sshll.u32 s0, $0x4  }
0x3: {  	s6 =	rddreg [dreg:$0x0];
	s0 =	stileid.u32;
	s1 =	sand.u32 $0x10, s1  }
0x4: {  	s3 =	rddreg [dreg:$0x1];
	s1 =	sor.u32 s0, s1  }
0x5: {  	s5 =	simm.s32 $0x1;
	s31 =	simm.s32 $0x2;
	s2 =	sshll.u32 s1, $0x7  }
0x6: {  	s14 =	simm.s32 $0x0;
	s8 =	simm.s32 $0x1000;
	s4 =	ssub.s32 $0x1000, s2  }
0x7: {  	s9 =	simm.s32 $0x0;
	s15 =	simm.s32 $0x0;
	s30 =	sand.u32 $0xF80, s4  }
0x8: {  	s16 =	simm.s32 $0x0;
	s10 =	simm.s32 $0x0;
	p0 =	sne.s32 s30, $0x0  }
.Ltmp0:
0x9: {  	s7 =	sshrl.u32 s4, $0xC;
	s5 =	simm.s32 @!p0 $0x0;
	(pc) =	sbr.rel .LBB1_1-.Ltmp0, $4  }
0xa: {  	s11 =	simm.s32 $0x0;
	s1 =	rddreg [dreg:$0x2];
	s5 =	sadd.s32 s5, s7  }
0xb: {  	_ =	strace $0x8000004A;
	s4 =	simm.s32 $0x1;
	s5 =	smul.u32 $0x50, s5  }
0xc: {  	s13 =	simm.s32 $0x0;
	s6 =	sadd.s32 $0x1000, s6;
	[sflag:s4] =	ssyncpa.u1 $0x0  }
0xd: {  	s12 =	smov.u32 s2;
	[sflag:s31] =	ssyncpa.u1 $0x0;
	s7 =	sor.u32 $0x1, s5  }
.LBB1_4:
0xe: {  	_ =	sdelay $0x3  }
0xf: {  	[tilespmem:v0+s19+$0xFFFFFFD0 ss:$0x1] =	vst.idx.msk $0xffff, v6  }
0x10: {  	v56 =	vld.idx.msk [tilespmem:v1+s18+$0x0 ss:$0x1], $0xffff;
	[tilespmem:v0+s19+$0xFFFFFFE0 ss:$0x1] =	vst.idx.msk $0xffff, v4  }
0x11: {  	v57 =	vld.idx.msk [tilespmem:v1+s18+$0xFFFFFF90 ss:$0x1], $0xffff;
	[tilespmem:v0+s19+$0xFFFFFFF0 ss:$0x1] =	vst.idx.msk $0xffff, v2  }
0x12: {  	v58 =	vld.idx.msk [tilespmem:v1+s18+$0xFFFFFFA0 ss:$0x1], $0xffff;
	[tilespmem:v0+s19+$0x0 ss:$0x1] =	vst.idx.msk $0xffff, v3  }
0x13: {  	v59 =	vld.idx.msk [tilespmem:v1+s18+$0xFFFFFFB0 ss:$0x1], $0xffff;
	[tilespmem:v0+s19+$0x10 ss:$0x1] =	vst.idx.msk $0xffff, v5  }
0x14: {  	v60 =	vld.idx.msk [tilespmem:v1+s18+$0xFFFFFFC0 ss:$0x1], $0xffff;
	[tilespmem:v0+s19+$0x20 ss:$0x1] =	vst.idx.msk $0xffff, v7  }
0x15: {  	v61 =	vld.idx.msk [tilespmem:v1+s18+$0xFFFFFFD0 ss:$0x1], $0xffff;
	s27 =	sshll.u32 s16, $0x9;
	[tilespmem:v0+s18+$0x30 ss:$0x1] =	vst.idx.msk $0xffff, v56  }
0x16: {  	s20 =	sshll.u32 s14, $0x3;
	v62 =	vld.idx.msk [tilespmem:v1+s18+$0xFFFFFFE0 ss:$0x1], $0xffff;
	s28 =	sshll.u32 s16, $0x7;
	s30 =	sand.u32 $0x78, s14;
	[tilespmem:v0+s18+$0xFFFFFFC0 ss:$0x1] =	vst.idx.msk $0xffff, v57  }
0x17: {  	v63 =	vld.idx.msk [tilespmem:v1+s18+$0xFFFFFFF0 ss:$0x1], $0xffff;
	s15 =	sshll.u32 s15, $0x12;
	s19 =	sand.u32 $0x1FF000, s27;
	s20 =	sand.u32 $0x1FFC00, s20;
	[tilespmem:v0+s18+$0xFFFFFFD0 ss:$0x1] =	vst.idx.msk $0xffff, v58  }
0x18: {  	s29 =	sand.u32 $0x200, s28;
	s16 =	sand.u32 $0x180, s28;
	s19 =	sadd.s32 s19, s20;
	[tilespmem:v0+s18+$0xFFFFFFE0 ss:$0x1] =	vst.idx.msk $0xffff, v59  }
0x19: {  	s31 =	sand.u32 $0x7, s14;
	s16 =	sor.u32 s16, s30;
	s19 =	sor.u32 s29, s19;
	[tilespmem:v0+s18+$0xFFFFFFF0 ss:$0x1] =	vst.idx.msk $0xffff, v60  }
0x1a: {  	s15 =	sadd.s32 s3, s15;
	s16 =	sshrl.u32 s16, $0x3;
	s19 =	sshrl.u32 s19, $0x3;
	[tilespmem:v0+s18+$0x0 ss:$0x1] =	vst.idx.msk $0xffff, v61  }
0x1b: {  	s14 =	sshll.u32 s31, $0x12;
	s15 =	sadd.s32 s16, s15;
	[tilespmem:v0+s18+$0x10 ss:$0x1] =	vst.idx.msk $0xffff, v62;
	s19 =	sand.u32 $0x3FFC0, s19  }
0x1c: {  	s14 =	sor.u32 $0x400, s14;
	[tilespmem:v0+s18+$0x20 ss:$0x1] =	vst.idx.msk $0xffff, v63;
	s15 =	sadd.s32 s19, s15  }
0x1d: {  	[hbm4b:s15+s14] =	stream.strided.scatter [tilespmem:s17], [sflag:$0x2], $0x4000, s8, s14, $0x38;
	[tilespmem:$0x10000] =	vst v63  }
.LBB1_5:
0x1e: {  	s17 =	sadd.s32 $0x80, s10  }
0x1f: {  	s14 =	simm.s32 $0x1;
	p1 =	sgt.s32 s17, $0x1FF  }
0x20: {  	s14 =	simm.s32 @!p1 $0x0  }
0x21: {  	s18 =	sadd.s32 s14, s11  }
0x22: {  	s20 =	smov.u32 s12;
	s14 =	sadd.s32 $0x1000, s12;
	p2 =	sgt.s32 s18, $0x13  }
0x23: {  	s20 =	smov.u32 @p2 s14  }
0x24: {  	p0 =	slt.u32 s13, $0x2;
	s17 =	simm.s32 @p1 $0x0;
	p1 =	sgt.s32 s20, $0xFFF  }
0x25: {  	s19 =	simm.s32 @!p0 $0x2;
	s20 =	smov.u32 @p1 s2;
	p1 =	sne.s32 s13, s7  }
.Ltmp1:
0x26: {  	_ =	swait.ge @!p0 [sflag:s19], $0x4000;
	(pc) =	sbr.rel @!p1 .LBB1_6-.Ltmp1, $4  }
0x27: {  	s15 =	smov.u32 s11;
	[sflag:s19] =	ssyncset.done @!p0 $0x0  }
0x28: {  	s16 =	smov.u32 s12;
	s9 =	sadd.s32 $0x4000, s9;
	[sflag:s19] =	ssyncadd.s32 @!p0 $0xFFFFC000  }
0x29: {  	s18 =	simm.s32 @p2 $0x0;
	s14 =	smov.u32 s10;
	s10 =	smov.u32 s17  }
0x2a: {  	s11 =	smov.u32 s18;
	s13 =	sadd.s32 $0x1, s13;
	s12 =	smov.u32 s20  }
.LBB1_1:
0x2b: {  	p0 =	sge.u32 s13, s5  }
0x2c: {  	s17 =	sshll.u32 @!p0 s11, $0x9;
	s18 =	sshll.u32 @!p0 s10, $0x3  }
0x2d: {  	s19 =	sshll.u32 @!p0 s11, $0x7;
	s17 =	sand.u32 @!p0 $0xFFFFF000, s17;
	s18 =	sand.u32 @!p0 $0xFFFFFC00, s18  }
0x2e: {  	s17 =	sadd.s32 @!p0 s17, s18;
	s18 =	sand.u32 @!p0 $0x200, s19  }
0x2f: {  	s17 =	sor.u32 @!p0 s18, s17  }
0x30: {  	s17 =	sshrl.u32 @!p0 s17, $0x9  }
0x31: {  	s31 =	sadd.s32 $0xFFFFFFFF, s13;
	s18 =	smulhi.u32 @!p0 $0xAAAAAAB, s17  }
0x32: {  	s20 =	sxor.u32 @!p0 $0xFFFFFFFF, s13;
	s21 =	sand.u32 @!p0 $0x78, s10;
	s22 =	smul.u32 @!p0 $0x600, s12  }
0x33: {  	s20 =	sshll.u32 @!p0 s20, $0xE;
	s19 =	sand.u32 @!p0 $0x180, s19;
	s18 =	smul.u32 @!p0 $0x18, s18  }
0x34: {  	s20 =	sand.u32 @!p0 $0x4000, s20;
	s19 =	sor.u32 @!p0 s21, s19;
	s21 =	sand.u32 @!p0 $0x7, s10  }
0x35: {  	s17 =	ssub.s32 @!p0 s17, s18;
	s18 =	sshrl.u32 @!p0 s19, $0x3;
	s19 =	sadd.s32 @!p0 s6, s22  }
0x36: {  	s17 =	sshll.u32 @!p0 s17, $0x6;
	s18 =	sadd.s32 @!p0 s18, s19;
	s19 =	sshll.u32 @!p0 s21, $0x12  }
0x37: {  	s17 =	sadd.s32 @!p0 s17, s18;
	s18 =	sor.u32 @!p0 $0x80, s19;
	s19 =	simm.s32 @!p0 $0x3000  }
0x38: {  	[tilespmem:s20], [sflag:$0x1] =	stream.strided.gather @!p0 [hbm4b:s17+s18], $0x4000, s19, s18, $0x38;
	[tilespmem:$0x10000] =	vst v63  }
0x39: {  	p0 =	sge.u32 s31, s5  }
.Ltmp2:
0x3a: {  	_ = 	snop;
	(pc) =	sbr.rel @p0 .LBB1_5-.Ltmp2, $1  }
0x3b: {  	_ =	sdelay $0x3  }
0x3c: {  	s17 =	sand.u32 $0x4000, s9  }
0x3d: {  	s18 =	sor.u32 $0x70, s17  }
0x3e: {  	v1 =	vmov s18;
	_ =	sdelay $0x1  }
0x3f: {  	_ =	swait.ge [sflag:s4], $0x4000  }
0x40: {  	[sflag:s4] =	ssyncset.done $0x0  }
0x41: {  	s19 =	simm.s32 $0x0;
	[sflag:s4] =	ssyncadd.s32 $0xFFFFC000  }
0x42: {  	s17 =	sor.u32 $0x8040, s17;
	v7 =	vld.idx.msk [tilespmem:v1+s19+$0x0 ss:$0x1], $0xffff  }
0x43: {  	v0 =	vmov s17;
	v8 =	vld.idx.msk [tilespmem:v1+s19+$0xFFFFFF90 ss:$0x1], $0xffff  }
0x44: {  	v6 =	vld.idx.msk [tilespmem:v1+s19+$0xFFFFFFA0 ss:$0x1], $0xffff  }
0x45: {  	v4 =	vld.idx.msk [tilespmem:v1+s19+$0xFFFFFFB0 ss:$0x1], $0xffff  }
0x46: {  	v2 =	vld.idx.msk [tilespmem:v1+s19+$0xFFFFFFC0 ss:$0x1], $0xffff  }
0x47: {  	s31 =	sshll.u32 s13, $0xE;
	v3 =	vld.idx.msk [tilespmem:v1+s19+$0xFFFFFFD0 ss:$0x1], $0xffff  }
0x48: {  	s17 =	sand.u32 $0x4000, s31;
	v5 =	vld.idx.msk [tilespmem:v1+s19+$0xFFFFFFE0 ss:$0x1], $0xffff;
	[tilespmem:v0+s19+$0x30 ss:$0x1] =	vst.idx.msk $0xffff, v7  }
0x49: {  	s20 =	simm.s32 $0x400;
	s18 =	simm.s32 $0x80;
	s17 =	sor.u32 $0x8000, s17;
	[tilespmem:v0+s19+$0xFFFFFFC0 ss:$0x1] =	vst.idx.msk $0xffff, v8;
	v7 =	vld.idx.msk [tilespmem:v1+s19+$0xFFFFFFF0 ss:$0x1], $0xffff  }
.LBB1_3:
0x4a: {  	p0 =	sne.s32 s20, $0xFE00;
	v8 =	vld.idx.msk [tilespmem:v1+s18+$0x0 ss:$0x1], $0xffff;
	[tilespmem:v0+s19+$0xFFFFFFD0 ss:$0x1] =	vst.idx.msk $0xffff, v6  }
0x4b: {  	v9 =	vld.idx.msk [tilespmem:v1+s18+$0xFFFFFF90 ss:$0x1], $0xffff;
	[tilespmem:v0+s19+$0xFFFFFFE0 ss:$0x1] =	vst.idx.msk $0xffff, v4  }
0x4c: {  	v6 =	vld.idx.msk [tilespmem:v1+s18+$0xFFFFFFA0 ss:$0x1], $0xffff;
	[tilespmem:v0+s19+$0xFFFFFFF0 ss:$0x1] =	vst.idx.msk $0xffff, v2  }
.Ltmp3:
0x4d: {  	v4 =	vld.idx.msk [tilespmem:v1+s18+$0xFFFFFFB0 ss:$0x1], $0xffff;
	[tilespmem:v0+s19+$0x0 ss:$0x1] =	vst.idx.msk $0xffff, v3;
	(pc) =	sbr.rel @p0 .LBB1_3-.Ltmp3, $4  }
0x4e: {  	v2 =	vld.idx.msk [tilespmem:v1+s18+$0xFFFFFFC0 ss:$0x1], $0xffff;
	[tilespmem:v0+s19+$0x10 ss:$0x1] =	vst.idx.msk $0xffff, v5  }
0x4f: {  	v3 =	vld.idx.msk [tilespmem:v1+s18+$0xFFFFFFD0 ss:$0x1], $0xffff;
	[tilespmem:v0+s19+$0x20 ss:$0x1] =	vst.idx.msk $0xffff, v7;
	s19 =	smov.u32 s18  }
0x50: {  	v5 =	vld.idx.msk [tilespmem:v1+s19+$0xFFFFFFE0 ss:$0x1], $0xffff;
	[tilespmem:v0+s19+$0x30 ss:$0x1] =	vst.idx.msk $0xffff, v8  }
0x51: {  	s18 =	sshra.s32 s20, $0x2;
	s20 =	sadd.s32 $0x200, s20;
	[tilespmem:v0+s19+$0xFFFFFFC0 ss:$0x1] =	vst.idx.msk $0xffff, v9;
	v7 =	vld.idx.msk [tilespmem:v1+s19+$0xFFFFFFF0 ss:$0x1], $0xffff  }
.Ltmp4:
0x52: {  	_ = 	snop;
	(pc) =	sbr.rel .LBB1_4-.Ltmp4, $1  }
0x53: {  	_ =	sdelay $0x3  }
.LBB1_6:
0x54: {  	_ =	sfence.sel $0x180000  }
0x55: {  	s2 =	simm.s32 $0x1;
	[bflag:$0x0] =	sbarrier.arrive $0xFFFF  }
0x56: {  	s31 =	simm.s32 $0x2;
	[sflag:s2] =	ssyncpa.u1 $0x1  }
0x57: {  	[sflag:s31] =	ssyncpa.u1 $0x1  }
0x58: {  	p0 =	sne.s32 s0, $0x0;
	_ =	strace $0x9000004A  }
0x59: {  	s0 =	sadd.s32 @!p0 $0x100000, s1;
	[bflag:$0x2] =	sbarrier.arrive $0xFFFF  }
0x5a: {  	[sflag:s0] =	ssyncadd.tile.s32 @!p0 $0x1;
	_ =	shalt  }
.Lfunc_end1:
_tile_overlayer_lowered:
.L_overlay_start_2:
0x5b: {  	(tag) =	ssettag $0x2  }
0x5c: {  	s0 =	rddreg [dreg:$0x0];
	s2 =	stileid.u32  }
0x5d: {  	s1 =	rddreg [dreg:$0x1];
	p0 =	sne.s32 s2, $0x0  }
0x5e: {  	s3 =	rddreg [dreg:$0x2];
	[bflag:$0x3] =	sbarrier.arrive $0xFFFF;
	s2 =	simm.s32 @!p0 $0x1C01  }
0x5f: {  	[timem:s3], [sflag:s2] =	dma.local @!p0 [hbm:s0], s1  }
0x60: {  	s0 =	simm.s32 @!p0 $0x1  }
0x61: {  	_ =	swait.ge @!p0 [sflag:s0], s1  }
0x62: {  	s1 =	ssub.s32 @!p0 $0x0, s1;
	[sflag:s0] =	ssyncset.done @!p0 $0x0  }
0x63: {  	[sflag:s0] =	ssyncadd.s32 @!p0 s1  }
0x64: {  	[bflag:$0x3] =	sbarrier.arrive $0xFFFF  }
0x65: {  	_ =	shalt  }

</sc_bundles>
